<compile_context>
chip_gen: v7x
topology: tpu7x:2x2x1
jax: 0.10.2.dev20260603
libtpu: 0.0.44.dev20260713+nightly
codegen_flags: <defaults>
</compile_context>

<pallas_src>
import functools
import jax
import jax.numpy as jnp
from jax import lax
from jax.experimental import pallas as pl
from jax.experimental.pallas import tpu as pltpu
from jax.experimental.pallas import tpu_sc as plsc

_NC = 2
_NS = 16
_NW = _NC * _NS
_CH = 32
_L = 16


def _make_sc_kernel(n, d):
    b_per_w = n // _NW
    n_pairs = b_per_w // (2 * _CH)
    mesh = plsc.VectorSubcoreMesh(core_axis_name="c", subcore_axis_name="s")

    @functools.partial(
        pl.kernel,
        mesh=mesh,
        out_type=jax.ShapeDtypeStruct((n, d), jnp.float32),
        scratch_types=[
            pltpu.VMEM((b_per_w,), jnp.int32),
            pltpu.VMEM((_CH, d), jnp.float32),
            pltpu.VMEM((_CH, d), jnp.float32),
            pltpu.SemaphoreType.DMA,
            pltpu.SemaphoreType.DMA,
            pltpu.SemaphoreType.DMA,
        ],
    )
    def k(table_hbm, idx_hbm, out_hbm, idx_v, buf0, buf1,
          gsem, wsem0, wsem1):
        wid = lax.axis_index("s") * _NC + lax.axis_index("c")
        base = wid * b_per_w
        pltpu.sync_copy(idx_hbm.at[pl.ds(base, b_per_w)], idx_v)

        row_off = 2 * wid
        for s in range(b_per_w // _L):
            sl = pl.ds(s * _L, _L)
            idx_v[sl] = idx_v[sl] + row_off

        def pair(k_i, carry):
            for b, buf, wsem in ((0, buf0, wsem0), (1, buf1, wsem1)):
                off = (2 * k_i + b) * _CH

                @pl.when(k_i > 0)
                def _wait_prev_write():
                    pltpu.make_async_copy(
                        buf, out_hbm.at[pl.ds(base, _CH)], wsem
                    ).wait()

                pltpu.async_copy(
                    table_hbm.at[idx_v.at[pl.ds(off, _CH)]], buf, gsem
                ).wait()
                pltpu.async_copy(
                    buf, out_hbm.at[pl.ds(base + off, _CH)], wsem
                )
            return carry

        lax.fori_loop(0, n_pairs, pair, 0)
        pltpu.make_async_copy(buf0, out_hbm.at[pl.ds(base, _CH)], wsem0).wait()
        pltpu.make_async_copy(buf1, out_hbm.at[pl.ds(base, _CH)], wsem1).wait()

    return k


def kernel(token_type_ids, W_token_type):
    batch, seq = token_type_ids.shape
    n = batch * seq
    d = W_token_type.shape[1]
    ids_flat = token_type_ids.reshape(n)
    table_rep = jnp.tile(W_token_type, (_NW, 1))
    out = _make_sc_kernel(n, d)(table_rep, ids_flat)
    return out.reshape(batch, seq, d)

# --- scband reference (transcript-rebuilt; emitter-appended) ---
"""Pipeline reference for scband-token-type-embed-7902739825239 (READ-ONLY COPY).

The authoritative reference and input builder live on the scoring server;
editing this copy changes nothing except your own understanding.
"""

import jax, jax.numpy as jnp
import numpy as np

BATCH = 4
SEQ = 8192
D_MODEL = 1024

def setup_inputs(seed: int = 0) -> dict:
    key = jax.random.key(seed)
    k_idx, k_w = jax.random.split(key)
    token_type_ids = jax.random.randint(k_idx, (BATCH, SEQ), 0, 2, dtype=jnp.int64 if jax.config.read('jax_enable_x64') else jnp.int32)
    W_token_type = jax.random.normal(k_w, (2, D_MODEL), dtype=jnp.float32)
    return {"token_type_ids": token_type_ids, "W_token_type": W_token_type}

def reference(token_type_ids, W_token_type):
    # Faithful translation of: self.W_token_type[token_type_ids, :]
    return jnp.take(W_token_type, token_type_ids, axis=0)

if __name__ == "__main__":
    import jax
    _d = setup_inputs()
    print(jax.jit(kernel)(*tuple(_d.values())))

</pallas_src>

<mosaic_0001>
#map = affine_map<(d0, d1) -> (0, 0)>
#map1 = affine_map<(d0, d1) -> (0)>
module attributes {stable_mosaic.version = 14 : i64} {
  func.func @k(%arg0: i32, %arg1: i32, %arg2: memref<64x1024xf32, #tpu.memory_space<hbm>>, %arg3: memref<32768xi32, #tpu.memory_space<hbm>>, %arg4: memref<32768x1024xf32, #tpu.memory_space<hbm>>, %arg5: memref<1024xi32, #tpu.memory_space<vmem>>, %arg6: memref<32x1024xf32, #tpu.memory_space<vmem>>, %arg7: memref<32x1024xf32, #tpu.memory_space<vmem>>, %arg8: memref<!tpu.dma_semaphore, #tpu.memory_space<semaphore_mem>>, %arg9: memref<!tpu.dma_semaphore, #tpu.memory_space<semaphore_mem>>, %arg10: memref<!tpu.dma_semaphore, #tpu.memory_space<semaphore_mem>>) attributes {dimension_semantics = [#tpu.dimension_semantics<core_parallel>, #tpu.dimension_semantics<subcore_parallel>], iteration_bounds = array<i64: 2, 16>, scalar_prefetch = 0 : i64, scratch_operands = 6 : i64, tpu.core_type = #tpu.core_type<sc_vector_subcore>, window_params = [{transform_indices = #map}, {transform_indices = #map1}, {transform_indices = #map}]} {
    %mul3A = arith.constant 2 : i32
    %mul3A_0 = arith.muli %arg1, %mul3A : i32
    %add3A = arith.addi %mul3A_0, %arg0 : i32
    %mul3A_1 = arith.constant 1024 : i32
    %mul3A_2 = arith.muli %add3A, %mul3A_1 : i32
    "tpu.region"() ({
      %run_scoped3A = tpu.sem_alloc : memref<!tpu.dma_semaphore, #tpu.memory_space<semaphore_mem>>
      %dma_start3A = tpu.memref_slice %arg3[%mul3A_2] : memref<32768xi32, #tpu.memory_space<hbm>> -> memref<1024xi32, #tpu.memory_space<hbm>>
      %dma_start3A_591 = tpu.memref_slice %arg3[%mul3A_2] : memref<32768xi32, #tpu.memory_space<hbm>> -> memref<1024xi32, #tpu.memory_space<hbm>>
      tpu.enqueue_dma source(%dma_start3A_591 : memref<1024xi32, #tpu.memory_space<hbm>>) target(%arg5 : memref<1024xi32, #tpu.memory_space<vmem>>) target_semaphore(%run_scoped3A : memref<!tpu.dma_semaphore, #tpu.memory_space<semaphore_mem>>)
      %dma_wait3A_592 = tpu.memref_slice %arg3[%mul3A_2] : memref<32768xi32, #tpu.memory_space<hbm>> -> memref<1024xi32, #tpu.memory_space<hbm>>
      %dma_wait3A_593 = tpu.memref_slice %arg3[%mul3A_2] : memref<32768xi32, #tpu.memory_space<hbm>> -> memref<1024xi32, #tpu.memory_space<hbm>>
      tpu.wait_dma2 semaphore(%run_scoped3A : memref<!tpu.dma_semaphore, #tpu.memory_space<semaphore_mem>>) src(%dma_wait3A_593 : memref<1024xi32, #tpu.memory_space<hbm>>) dst(%arg5 : memref<1024xi32, #tpu.memory_space<vmem>>)
      tpu.yield
    }) : () -> ()
    %mul3A_3 = arith.constant 2 : i32
    %mul3A_4 = arith.muli %mul3A_3, %add3A : i32
    %get3A = arith.constant 0 : index
    %get3A_5 = tpu.vector_load %arg5[%get3A] {strides = array<i32>} : memref<1024xi32, #tpu.memory_space<vmem>>, vector<16xi32>,
    %get3A_6 = vector.shape_cast %get3A_5 : vector<16xi32> to vector<16xi32>
    %add3A_7 = vector.broadcast %mul3A_4 : i32 to vector<16xi32>
    %add3A_8 = arith.addi %get3A_6, %add3A_7 : vector<16xi32>
    %swap3A = arith.constant 0 : index
    %swap3A_9 = tpu.vector_load %arg5[%swap3A] {strides = array<i32>} : memref<1024xi32, #tpu.memory_space<vmem>>, vector<16xi32>,
    %swap3A_10 = vector.shape_cast %swap3A_9 : vector<16xi32> to vector<16xi32>
    %swap3A_11 = vector.shape_cast %add3A_8 : vector<16xi32> to vector<16xi32>
    tpu.vector_store %arg5[%swap3A], %swap3A_11 {strides = array<i32>} : memref<1024xi32, #tpu.memory_space<vmem>>, vector<16xi32>,
    %get3A_12 = arith.constant 16 : index
    %get3A_13 = tpu.vector_load %arg5[%get3A_12] {strides = array<i32>} : memref<1024xi32, #tpu.memory_space<vmem>>, vector<16xi32>,
    %get3A_14 = vector.shape_cast %get3A_13 : vector<16xi32> to vector<16xi32>
    %add3A_15 = vector.broadcast %mul3A_4 : i32 to vector<16xi32>
    %add3A_16 = arith.addi %get3A_14, %add3A_15 : vector<16xi32>
    %swap3A_17 = arith.constant 16 : index
    %swap3A_18 = tpu.vector_load %arg5[%swap3A_17] {strides = array<i32>} : memref<1024xi32, #tpu.memory_space<vmem>>, vector<16xi32>,
    %swap3A_19 = vector.shape_cast %swap3A_18 : vector<16xi32> to vector<16xi32>
    %swap3A_20 = vector.shape_cast %add3A_16 : vector<16xi32> to vector<16xi32>
    tpu.vector_store %arg5[%swap3A_17], %swap3A_20 {strides = array<i32>} : memref<1024xi32, #tpu.memory_space<vmem>>, vector<16xi32>,
    %get3A_21 = arith.constant 32 : index
    %get3A_22 = tpu.vector_load %arg5[%get3A_21] {strides = array<i32>} : memref<1024xi32, #tpu.memory_space<vmem>>, vector<16xi32>,
    %get3A_23 = vector.shape_cast %get3A_22 : vector<16xi32> to vector<16xi32>
    %add3A_24 = vector.broadcast %mul3A_4 : i32 to vector<16xi32>
    %add3A_25 = arith.addi %get3A_23, %add3A_24 : vector<16xi32>
    %swap3A_26 = arith.constant 32 : index
    %swap3A_27 = tpu.vector_load %arg5[%swap3A_26] {strides = array<i32>} : memref<1024xi32, #tpu.memory_space<vmem>>, vector<16xi32>,
    %swap3A_28 = vector.shape_cast %swap3A_27 : vector<16xi32> to vector<16xi32>
    %swap3A_29 = vector.shape_cast %add3A_25 : vector<16xi32> to vector<16xi32>
    tpu.vector_store %arg5[%swap3A_26], %swap3A_29 {strides = array<i32>} : memref<1024xi32, #tpu.memory_space<vmem>>, vector<16xi32>,
    %get3A_30 = arith.constant 48 : index
    %get3A_31 = tpu.vector_load %arg5[%get3A_30] {strides = array<i32>} : memref<1024xi32, #tpu.memory_space<vmem>>, vector<16xi32>,
    %get3A_32 = vector.shape_cast %get3A_31 : vector<16xi32> to vector<16xi32>
    %add3A_33 = vector.broadcast %mul3A_4 : i32 to vector<16xi32>
    %add3A_34 = arith.addi %get3A_32, %add3A_33 : vector<16xi32>
    %swap3A_35 = arith.constant 48 : index
    %swap3A_36 = tpu.vector_load %arg5[%swap3A_35] {strides = array<i32>} : memref<1024xi32, #tpu.memory_space<vmem>>, vector<16xi32>,
    %swap3A_37 = vector.shape_cast %swap3A_36 : vector<16xi32> to vector<16xi32>
    %swap3A_38 = vector.shape_cast %add3A_34 : vector<16xi32> to vector<16xi32>
    tpu.vector_store %arg5[%swap3A_35], %swap3A_38 {strides = array<i32>} : memref<1024xi32, #tpu.memory_space<vmem>>, vector<16xi32>,
    %get3A_39 = arith.constant 64 : index
    %get3A_40 = tpu.vector_load %arg5[%get3A_39] {strides = array<i32>} : memref<1024xi32, #tpu.memory_space<vmem>>, vector<16xi32>,
    %get3A_41 = vector.shape_cast %get3A_40 : vector<16xi32> to vector<16xi32>
    %add3A_42 = vector.broadcast %mul3A_4 : i32 to vector<16xi32>
    %add3A_43 = arith.addi %get3A_41, %add3A_42 : vector<16xi32>
    %swap3A_44 = arith.constant 64 : index
    %swap3A_45 = tpu.vector_load %arg5[%swap3A_44] {strides = array<i32>} : memref<1024xi32, #tpu.memory_space<vmem>>, vector<16xi32>,
    %swap3A_46 = vector.shape_cast %swap3A_45 : vector<16xi32> to vector<16xi32>
    %swap3A_47 = vector.shape_cast %add3A_43 : vector<16xi32> to vector<16xi32>
    tpu.vector_store %arg5[%swap3A_44], %swap3A_47 {strides = array<i32>} : memref<1024xi32, #tpu.memory_space<vmem>>, vector<16xi32>,
    %get3A_48 = arith.constant 80 : index
    %get3A_49 = tpu.vector_load %arg5[%get3A_48] {strides = array<i32>} : memref<1024xi32, #tpu.memory_space<vmem>>, vector<16xi32>,
    %get3A_50 = vector.shape_cast %get3A_49 : vector<16xi32> to vector<16xi32>
    %add3A_51 = vector.broadcast %mul3A_4 : i32 to vector<16xi32>
    %add3A_52 = arith.addi %get3A_50, %add3A_51 : vector<16xi32>
    %swap3A_53 = arith.constant 80 : index
    %swap3A_54 = tpu.vector_load %arg5[%swap3A_53] {strides = array<i32>} : memref<1024xi32, #tpu.memory_space<vmem>>, vector<16xi32>,
    %swap3A_55 = vector.shape_cast %swap3A_54 : vector<16xi32> to vector<16xi32>
    %swap3A_56 = vector.shape_cast %add3A_52 : vector<16xi32> to vector<16xi32>
    tpu.vector_store %arg5[%swap3A_53], %swap3A_56 {strides = array<i32>} : memref<1024xi32, #tpu.memory_space<vmem>>, vector<16xi32>,
    %get3A_57 = arith.constant 96 : index
    %get3A_58 = tpu.vector_load %arg5[%get3A_57] {strides = array<i32>} : memref<1024xi32, #tpu.memory_space<vmem>>, vector<16xi32>,
    %get3A_59 = vector.shape_cast %get3A_58 : vector<16xi32> to vector<16xi32>
    %add3A_60 = vector.broadcast %mul3A_4 : i32 to vector<16xi32>
    %add3A_61 = arith.addi %get3A_59, %add3A_60 : vector<16xi32>
    %swap3A_62 = arith.constant 96 : index
    %swap3A_63 = tpu.vector_load %arg5[%swap3A_62] {strides = array<i32>} : memref<1024xi32, #tpu.memory_space<vmem>>, vector<16xi32>,
    %swap3A_64 = vector.shape_cast %swap3A_63 : vector<16xi32> to vector<16xi32>
    %swap3A_65 = vector.shape_cast %add3A_61 : vector<16xi32> to vector<16xi32>
    tpu.vector_store %arg5[%swap3A_62], %swap3A_65 {strides = array<i32>} : memref<1024xi32, #tpu.memory_space<vmem>>, vector<16xi32>,
    %get3A_66 = arith.constant 112 : index
    %get3A_67 = tpu.vector_load %arg5[%get3A_66] {strides = array<i32>} : memref<1024xi32, #tpu.memory_space<vmem>>, vector<16xi32>,
    %get3A_68 = vector.shape_cast %get3A_67 : vector<16xi32> to vector<16xi32>
    %add3A_69 = vector.broadcast %mul3A_4 : i32 to vector<16xi32>
    %add3A_70 = arith.addi %get3A_68, %add3A_69 : vector<16xi32>
    %swap3A_71 = arith.constant 112 : index
    %swap3A_72 = tpu.vector_load %arg5[%swap3A_71] {strides = array<i32>} : memref<1024xi32, #tpu.memory_space<vmem>>, vector<16xi32>,
    %swap3A_73 = vector.shape_cast %swap3A_72 : vector<16xi32> to vector<16xi32>
    %swap3A_74 = vector.shape_cast %add3A_70 : vector<16xi32> to vector<16xi32>
    tpu.vector_store %arg5[%swap3A_71], %swap3A_74 {strides = array<i32>} : memref<1024xi32, #tpu.memory_space<vmem>>, vector<16xi32>,
    %get3A_75 = arith.constant 128 : index
    %get3A_76 = tpu.vector_load %arg5[%get3A_75] {strides = array<i32>} : memref<1024xi32, #tpu.memory_space<vmem>>, vector<16xi32>,
    %get3A_77 = vector.shape_cast %get3A_76 : vector<16xi32> to vector<16xi32>
    %add3A_78 = vector.broadcast %mul3A_4 : i32 to vector<16xi32>
    %add3A_79 = arith.addi %get3A_77, %add3A_78 : vector<16xi32>
    %swap3A_80 = arith.constant 128 : index
    %swap3A_81 = tpu.vector_load %arg5[%swap3A_80] {strides = array<i32>} : memref<1024xi32, #tpu.memory_space<vmem>>, vector<16xi32>,
    %swap3A_82 = vector.shape_cast %swap3A_81 : vector<16xi32> to vector<16xi32>
    %swap3A_83 = vector.shape_cast %add3A_79 : vector<16xi32> to vector<16xi32>
    tpu.vector_store %arg5[%swap3A_80], %swap3A_83 {strides = array<i32>} : memref<1024xi32, #tpu.memory_space<vmem>>, vector<16xi32>,
    %get3A_84 = arith.constant 144 : index
    %get3A_85 = tpu.vector_load %arg5[%get3A_84] {strides = array<i32>} : memref<1024xi32, #tpu.memory_space<vmem>>, vector<16xi32>,
    %get3A_86 = vector.shape_cast %get3A_85 : vector<16xi32> to vector<16xi32>
    %add3A_87 = vector.broadcast %mul3A_4 : i32 to vector<16xi32>
    %add3A_88 = arith.addi %get3A_86, %add3A_87 : vector<16xi32>
    %swap3A_89 = arith.constant 144 : index
    %swap3A_90 = tpu.vector_load %arg5[%swap3A_89] {strides = array<i32>} : memref<1024xi32, #tpu.memory_space<vmem>>, vector<16xi32>,
    %swap3A_91 = vector.shape_cast %swap3A_90 : vector<16xi32> to vector<16xi32>
    %swap3A_92 = vector.shape_cast %add3A_88 : vector<16xi32> to vector<16xi32>
    tpu.vector_store %arg5[%swap3A_89], %swap3A_92 {strides = array<i32>} : memref<1024xi32, #tpu.memory_space<vmem>>, vector<16xi32>,
    %get3A_93 = arith.constant 160 : index
    %get3A_94 = tpu.vector_load %arg5[%get3A_93] {strides = array<i32>} : memref<1024xi32, #tpu.memory_space<vmem>>, vector<16xi32>,
    %get3A_95 = vector.shape_cast %get3A_94 : vector<16xi32> to vector<16xi32>
    %add3A_96 = vector.broadcast %mul3A_4 : i32 to vector<16xi32>
    %add3A_97 = arith.addi %get3A_95, %add3A_96 : vector<16xi32>
    %swap3A_98 = arith.constant 160 : index
    %swap3A_99 = tpu.vector_load %arg5[%swap3A_98] {strides = array<i32>} : memref<1024xi32, #tpu.memory_space<vmem>>, vector<16xi32>,
    %swap3A_100 = vector.shape_cast %swap3A_99 : vector<16xi32> to vector<16xi32>
    %swap3A_101 = vector.shape_cast %add3A_97 : vector<16xi32> to vector<16xi32>
    tpu.vector_store %arg5[%swap3A_98], %swap3A_101 {strides = array<i32>} : memref<1024xi32, #tpu.memory_space<vmem>>, vector<16xi32>,
    %get3A_102 = arith.constant 176 : index
    %get3A_103 = tpu.vector_load %arg5[%get3A_102] {strides = array<i32>} : memref<1024xi32, #tpu.memory_space<vmem>>, vector<16xi32>,
    %get3A_104 = vector.shape_cast %get3A_103 : vector<16xi32> to vector<16xi32>
    %add3A_105 = vector.broadcast %mul3A_4 : i32 to vector<16xi32>
    %add3A_106 = arith.addi %get3A_104, %add3A_105 : vector<16xi32>
    %swap3A_107 = arith.constant 176 : index
    %swap3A_108 = tpu.vector_load %arg5[%swap3A_107] {strides = array<i32>} : memref<1024xi32, #tpu.memory_space<vmem>>, vector<16xi32>,
    %swap3A_109 = vector.shape_cast %swap3A_108 : vector<16xi32> to vector<16xi32>
    %swap3A_110 = vector.shape_cast %add3A_106 : vector<16xi32> to vector<16xi32>
    tpu.vector_store %arg5[%swap3A_107], %swap3A_110 {strides = array<i32>} : memref<1024xi32, #tpu.memory_space<vmem>>, vector<16xi32>,
    %get3A_111 = arith.constant 192 : index
    %get3A_112 = tpu.vector_load %arg5[%get3A_111] {strides = array<i32>} : memref<1024xi32, #tpu.memory_space<vmem>>, vector<16xi32>,
    %get3A_113 = vector.shape_cast %get3A_112 : vector<16xi32> to vector<16xi32>
    %add3A_114 = vector.broadcast %mul3A_4 : i32 to vector<16xi32>
    %add3A_115 = arith.addi %get3A_113, %add3A_114 : vector<16xi32>
    %swap3A_116 = arith.constant 192 : index
    %swap3A_117 = tpu.vector_load %arg5[%swap3A_116] {strides = array<i32>} : memref<1024xi32, #tpu.memory_space<vmem>>, vector<16xi32>,
    %swap3A_118 = vector.shape_cast %swap3A_117 : vector<16xi32> to vector<16xi32>
    %swap3A_119 = vector.shape_cast %add3A_115 : vector<16xi32> to vector<16xi32>
    tpu.vector_store %arg5[%swap3A_116], %swap3A_119 {strides = array<i32>} : memref<1024xi32, #tpu.memory_space<vmem>>, vector<16xi32>,
    %get3A_120 = arith.constant 208 : index
    %get3A_121 = tpu.vector_load %arg5[%get3A_120] {strides = array<i32>} : memref<1024xi32, #tpu.memory_space<vmem>>, vector<16xi32>,
    %get3A_122 = vector.shape_cast %get3A_121 : vector<16xi32> to vector<16xi32>
    %add3A_123 = vector.broadcast %mul3A_4 : i32 to vector<16xi32>
    %add3A_124 = arith.addi %get3A_122, %add3A_123 : vector<16xi32>
    %swap3A_125 = arith.constant 208 : index
    %swap3A_126 = tpu.vector_load %arg5[%swap3A_125] {strides = array<i32>} : memref<1024xi32, #tpu.memory_space<vmem>>, vector<16xi32>,
    %swap3A_127 = vector.shape_cast %swap3A_126 : vector<16xi32> to vector<16xi32>
    %swap3A_128 = vector.shape_cast %add3A_124 : vector<16xi32> to vector<16xi32>
    tpu.vector_store %arg5[%swap3A_125], %swap3A_128 {strides = array<i32>} : memref<1024xi32, #tpu.memory_space<vmem>>, vector<16xi32>,
    %get3A_129 = arith.constant 224 : index
    %get3A_130 = tpu.vector_load %arg5[%get3A_129] {strides = array<i32>} : memref<1024xi32, #tpu.memory_space<vmem>>, vector<16xi32>,
    %get3A_131 = vector.shape_cast %get3A_130 : vector<16xi32> to vector<16xi32>
    %add3A_132 = vector.broadcast %mul3A_4 : i32 to vector<16xi32>
    %add3A_133 = arith.addi %get3A_131, %add3A_132 : vector<16xi32>
    %swap3A_134 = arith.constant 224 : index
    %swap3A_135 = tpu.vector_load %arg5[%swap3A_134] {strides = array<i32>} : memref<1024xi32, #tpu.memory_space<vmem>>, vector<16xi32>,
    %swap3A_136 = vector.shape_cast %swap3A_135 : vector<16xi32> to vector<16xi32>
    %swap3A_137 = vector.shape_cast %add3A_133 : vector<16xi32> to vector<16xi32>
    tpu.vector_store %arg5[%swap3A_134], %swap3A_137 {strides = array<i32>} : memref<1024xi32, #tpu.memory_space<vmem>>, vector<16xi32>,
    %get3A_138 = arith.constant 240 : index
    %get3A_139 = tpu.vector_load %arg5[%get3A_138] {strides = array<i32>} : memref<1024xi32, #tpu.memory_space<vmem>>, vector<16xi32>,
    %get3A_140 = vector.shape_cast %get3A_139 : vector<16xi32> to vector<16xi32>
    %add3A_141 = vector.broadcast %mul3A_4 : i32 to vector<16xi32>
    %add3A_142 = arith.addi %get3A_140, %add3A_141 : vector<16xi32>
    %swap3A_143 = arith.constant 240 : index
    %swap3A_144 = tpu.vector_load %arg5[%swap3A_143] {strides = array<i32>} : memref<1024xi32, #tpu.memory_space<vmem>>, vector<16xi32>,
    %swap3A_145 = vector.shape_cast %swap3A_144 : vector<16xi32> to vector<16xi32>
    %swap3A_146 = vector.shape_cast %add3A_142 : vector<16xi32> to vector<16xi32>
    tpu.vector_store %arg5[%swap3A_143], %swap3A_146 {strides = array<i32>} : memref<1024xi32, #tpu.memory_space<vmem>>, vector<16xi32>,
    %get3A_147 = arith.constant 256 : index
    %get3A_148 = tpu.vector_load %arg5[%get3A_147] {strides = array<i32>} : memref<1024xi32, #tpu.memory_space<vmem>>, vector<16xi32>,
    %get3A_149 = vector.shape_cast %get3A_148 : vector<16xi32> to vector<16xi32>
    %add3A_150 = vector.broadcast %mul3A_4 : i32 to vector<16xi32>
    %add3A_151 = arith.addi %get3A_149, %add3A_150 : vector<16xi32>
    %swap3A_152 = arith.constant 256 : index
    %swap3A_153 = tpu.vector_load %arg5[%swap3A_152] {strides = array<i32>} : memref<1024xi32, #tpu.memory_space<vmem>>, vector<16xi32>,
    %swap3A_154 = vector.shape_cast %swap3A_153 : vector<16xi32> to vector<16xi32>
    %swap3A_155 = vector.shape_cast %add3A_151 : vector<16xi32> to vector<16xi32>
    tpu.vector_store %arg5[%swap3A_152], %swap3A_155 {strides = array<i32>} : memref<1024xi32, #tpu.memory_space<vmem>>, vector<16xi32>,
    %get3A_156 = arith.constant 272 : index
    %get3A_157 = tpu.vector_load %arg5[%get3A_156] {strides = array<i32>} : memref<1024xi32, #tpu.memory_space<vmem>>, vector<16xi32>,
    %get3A_158 = vector.shape_cast %get3A_157 : vector<16xi32> to vector<16xi32>
    %add3A_159 = vector.broadcast %mul3A_4 : i32 to vector<16xi32>
    %add3A_160 = arith.addi %get3A_158, %add3A_159 : vector<16xi32>
    %swap3A_161 = arith.constant 272 : index
    %swap3A_162 = tpu.vector_load %arg5[%swap3A_161] {strides = array<i32>} : memref<1024xi32, #tpu.memory_space<vmem>>, vector<16xi32>,
    %swap3A_163 = vector.shape_cast %swap3A_162 : vector<16xi32> to vector<16xi32>
    %swap3A_164 = vector.shape_cast %add3A_160 : vector<16xi32> to vector<16xi32>
    tpu.vector_store %arg5[%swap3A_161], %swap3A_164 {strides = array<i32>} : memref<1024xi32, #tpu.memory_space<vmem>>, vector<16xi32>,
    %get3A_165 = arith.constant 288 : index
    %get3A_166 = tpu.vector_load %arg5[%get3A_165] {strides = array<i32>} : memref<1024xi32, #tpu.memory_space<vmem>>, vector<16xi32>,
    %get3A_167 = vector.shape_cast %get3A_166 : vector<16xi32> to vector<16xi32>
    %add3A_168 = vector.broadcast %mul3A_4 : i32 to vector<16xi32>
    %add3A_169 = arith.addi %get3A_167, %add3A_168 : vector<16xi32>
    %swap3A_170 = arith.constant 288 : index
    %swap3A_171 = tpu.vector_load %arg5[%swap3A_170] {strides = array<i32>} : memref<1024xi32, #tpu.memory_space<vmem>>, vector<16xi32>,
    %swap3A_172 = vector.shape_cast %swap3A_171 : vector<16xi32> to vector<16xi32>
    %swap3A_173 = vector.shape_cast %add3A_169 : vector<16xi32> to vector<16xi32>
    tpu.vector_store %arg5[%swap3A_170], %swap3A_173 {strides = array<i32>} : memref<1024xi32, #tpu.memory_space<vmem>>, vector<16xi32>,
    %get3A_174 = arith.constant 304 : index
    %get3A_175 = tpu.vector_load %arg5[%get3A_174] {strides = array<i32>} : memref<1024xi32, #tpu.memory_space<vmem>>, vector<16xi32>,
    %get3A_176 = vector.shape_cast %get3A_175 : vector<16xi32> to vector<16xi32>
    %add3A_177 = vector.broadcast %mul3A_4 : i32 to vector<16xi32>
    %add3A_178 = arith.addi %get3A_176, %add3A_177 : vector<16xi32>
    %swap3A_179 = arith.constant 304 : index
    %swap3A_180 = tpu.vector_load %arg5[%swap3A_179] {strides = array<i32>} : memref<1024xi32, #tpu.memory_space<vmem>>, vector<16xi32>,
    %swap3A_181 = vector.shape_cast %swap3A_180 : vector<16xi32> to vector<16xi32>
    %swap3A_182 = vector.shape_cast %add3A_178 : vector<16xi32> to vector<16xi32>
    tpu.vector_store %arg5[%swap3A_179], %swap3A_182 {strides = array<i32>} : memref<1024xi32, #tpu.memory_space<vmem>>, vector<16xi32>,
    %get3A_183 = arith.constant 320 : index
    %get3A_184 = tpu.vector_load %arg5[%get3A_183] {strides = array<i32>} : memref<1024xi32, #tpu.memory_space<vmem>>, vector<16xi32>,
    %get3A_185 = vector.shape_cast %get3A_184 : vector<16xi32> to vector<16xi32>
    %add3A_186 = vector.broadcast %mul3A_4 : i32 to vector<16xi32>
    %add3A_187 = arith.addi %get3A_185, %add3A_186 : vector<16xi32>
    %swap3A_188 = arith.constant 320 : index
    %swap3A_189 = tpu.vector_load %arg5[%swap3A_188] {strides = array<i32>} : memref<1024xi32, #tpu.memory_space<vmem>>, vector<16xi32>,
    %swap3A_190 = vector.shape_cast %swap3A_189 : vector<16xi32> to vector<16xi32>
    %swap3A_191 = vector.shape_cast %add3A_187 : vector<16xi32> to vector<16xi32>
    tpu.vector_store %arg5[%swap3A_188], %swap3A_191 {strides = array<i32>} : memref<1024xi32, #tpu.memory_space<vmem>>, vector<16xi32>,
    %get3A_192 = arith.constant 336 : index
    %get3A_193 = tpu.vector_load %arg5[%get3A_192] {strides = array<i32>} : memref<1024xi32, #tpu.memory_space<vmem>>, vector<16xi32>,
    %get3A_194 = vector.shape_cast %get3A_193 : vector<16xi32> to vector<16xi32>
    %add3A_195 = vector.broadcast %mul3A_4 : i32 to vector<16xi32>
    %add3A_196 = arith.addi %get3A_194, %add3A_195 : vector<16xi32>
    %swap3A_197 = arith.constant 336 : index
    %swap3A_198 = tpu.vector_load %arg5[%swap3A_197] {strides = array<i32>} : memref<1024xi32, #tpu.memory_space<vmem>>, vector<16xi32>,
    %swap3A_199 = vector.shape_cast %swap3A_198 : vector<16xi32> to vector<16xi32>
    %swap3A_200 = vector.shape_cast %add3A_196 : vector<16xi32> to vector<16xi32>
    tpu.vector_store %arg5[%swap3A_197], %swap3A_200 {strides = array<i32>} : memref<1024xi32, #tpu.memory_space<vmem>>, vector<16xi32>,
    %get3A_201 = arith.constant 352 : index
    %get3A_202 = tpu.vector_load %arg5[%get3A_201] {strides = array<i32>} : memref<1024xi32, #tpu.memory_space<vmem>>, vector<16xi32>,
    %get3A_203 = vector.shape_cast %get3A_202 : vector<16xi32> to vector<16xi32>
    %add3A_204 = vector.broadcast %mul3A_4 : i32 to vector<16xi32>
    %add3A_205 = arith.addi %get3A_203, %add3A_204 : vector<16xi32>
    %swap3A_206 = arith.constant 352 : index
    %swap3A_207 = tpu.vector_load %arg5[%swap3A_206] {strides = array<i32>} : memref<1024xi32, #tpu.memory_space<vmem>>, vector<16xi32>,
    %swap3A_208 = vector.shape_cast %swap3A_207 : vector<16xi32> to vector<16xi32>
    %swap3A_209 = vector.shape_cast %add3A_205 : vector<16xi32> to vector<16xi32>
    tpu.vector_store %arg5[%swap3A_206], %swap3A_209 {strides = array<i32>} : memref<1024xi32, #tpu.memory_space<vmem>>, vector<16xi32>,
    %get3A_210 = arith.constant 368 : index
    %get3A_211 = tpu.vector_load %arg5[%get3A_210] {strides = array<i32>} : memref<1024xi32, #tpu.memory_space<vmem>>, vector<16xi32>,
    %get3A_212 = vector.shape_cast %get3A_211 : vector<16xi32> to vector<16xi32>
    %add3A_213 = vector.broadcast %mul3A_4 : i32 to vector<16xi32>
    %add3A_214 = arith.addi %get3A_212, %add3A_213 : vector<16xi32>
    %swap3A_215 = arith.constant 368 : index
    %swap3A_216 = tpu.vector_load %arg5[%swap3A_215] {strides = array<i32>} : memref<1024xi32, #tpu.memory_space<vmem>>, vector<16xi32>,
    %swap3A_217 = vector.shape_cast %swap3A_216 : vector<16xi32> to vector<16xi32>
    %swap3A_218 = vector.shape_cast %add3A_214 : vector<16xi32> to vector<16xi32>
    tpu.vector_store %arg5[%swap3A_215], %swap3A_218 {strides = array<i32>} : memref<1024xi32, #tpu.memory_space<vmem>>, vector<16xi32>,
    %get3A_219 = arith.constant 384 : index
    %get3A_220 = tpu.vector_load %arg5[%get3A_219] {strides = array<i32>} : memref<1024xi32, #tpu.memory_space<vmem>>, vector<16xi32>,
    %get3A_221 = vector.shape_cast %get3A_220 : vector<16xi32> to vector<16xi32>
    %add3A_222 = vector.broadcast %mul3A_4 : i32 to vector<16xi32>
    %add3A_223 = arith.addi %get3A_221, %add3A_222 : vector<16xi32>
    %swap3A_224 = arith.constant 384 : index
    %swap3A_225 = tpu.vector_load %arg5[%swap3A_224] {strides = array<i32>} : memref<1024xi32, #tpu.memory_space<vmem>>, vector<16xi32>,
    %swap3A_226 = vector.shape_cast %swap3A_225 : vector<16xi32> to vector<16xi32>
    %swap3A_227 = vector.shape_cast %add3A_223 : vector<16xi32> to vector<16xi32>
    tpu.vector_store %arg5[%swap3A_224], %swap3A_227 {strides = array<i32>} : memref<1024xi32, #tpu.memory_space<vmem>>, vector<16xi32>,
    %get3A_228 = arith.constant 400 : index
    %get3A_229 = tpu.vector_load %arg5[%get3A_228] {strides = array<i32>} : memref<1024xi32, #tpu.memory_space<vmem>>, vector<16xi32>,
    %get3A_230 = vector.shape_cast %get3A_229 : vector<16xi32> to vector<16xi32>
    %add3A_231 = vector.broadcast %mul3A_4 : i32 to vector<16xi32>
    %add3A_232 = arith.addi %get3A_230, %add3A_231 : vector<16xi32>
    %swap3A_233 = arith.constant 400 : index
    %swap3A_234 = tpu.vector_load %arg5[%swap3A_233] {strides = array<i32>} : memref<1024xi32, #tpu.memory_space<vmem>>, vector<16xi32>,
    %swap3A_235 = vector.shape_cast %swap3A_234 : vector<16xi32> to vector<16xi32>
    %swap3A_236 = vector.shape_cast %add3A_232 : vector<16xi32> to vector<16xi32>
    tpu.vector_store %arg5[%swap3A_233], %swap3A_236 {strides = array<i32>} : memref<1024xi32, #tpu.memory_space<vmem>>, vector<16xi32>,
    %get3A_237 = arith.constant 416 : index
    %get3A_238 = tpu.vector_load %arg5[%get3A_237] {strides = array<i32>} : memref<1024xi32, #tpu.memory_space<vmem>>, vector<16xi32>,
    %get3A_239 = vector.shape_cast %get3A_238 : vector<16xi32> to vector<16xi32>
    %add3A_240 = vector.broadcast %mul3A_4 : i32 to vector<16xi32>
    %add3A_241 = arith.addi %get3A_239, %add3A_240 : vector<16xi32>
    %swap3A_242 = arith.constant 416 : index
    %swap3A_243 = tpu.vector_load %arg5[%swap3A_242] {strides = array<i32>} : memref<1024xi32, #tpu.memory_space<vmem>>, vector<16xi32>,
    %swap3A_244 = vector.shape_cast %swap3A_243 : vector<16xi32> to vector<16xi32>
    %swap3A_245 = vector.shape_cast %add3A_241 : vector<16xi32> to vector<16xi32>
    tpu.vector_store %arg5[%swap3A_242], %swap3A_245 {strides = array<i32>} : memref<1024xi32, #tpu.memory_space<vmem>>, vector<16xi32>,
    %get3A_246 = arith.constant 432 : index
    %get3A_247 = tpu.vector_load %arg5[%get3A_246] {strides = array<i32>} : memref<1024xi32, #tpu.memory_space<vmem>>, vector<16xi32>,
    %get3A_248 = vector.shape_cast %get3A_247 : vector<16xi32> to vector<16xi32>
    %add3A_249 = vector.broadcast %mul3A_4 : i32 to vector<16xi32>
    %add3A_250 = arith.addi %get3A_248, %add3A_249 : vector<16xi32>
    %swap3A_251 = arith.constant 432 : index
    %swap3A_252 = tpu.vector_load %arg5[%swap3A_251] {strides = array<i32>} : memref<1024xi32, #tpu.memory_space<vmem>>, vector<16xi32>,
    %swap3A_253 = vector.shape_cast %swap3A_252 : vector<16xi32> to vector<16xi32>
    %swap3A_254 = vector.shape_cast %add3A_250 : vector<16xi32> to vector<16xi32>
    tpu.vector_store %arg5[%swap3A_251], %swap3A_254 {strides = array<i32>} : memref<1024xi32, #tpu.memory_space<vmem>>, vector<16xi32>,
    %get3A_255 = arith.constant 448 : index
    %get3A_256 = tpu.vector_load %arg5[%get3A_255] {strides = array<i32>} : memref<1024xi32, #tpu.memory_space<vmem>>, vector<16xi32>,
    %get3A_257 = vector.shape_cast %get3A_256 : vector<16xi32> to vector<16xi32>
    %add3A_258 = vector.broadcast %mul3A_4 : i32 to vector<16xi32>
    %add3A_259 = arith.addi %get3A_257, %add3A_258 : vector<16xi32>
    %swap3A_260 = arith.constant 448 : index
    %swap3A_261 = tpu.vector_load %arg5[%swap3A_260] {strides = array<i32>} : memref<1024xi32, #tpu.memory_space<vmem>>, vector<16xi32>,
    %swap3A_262 = vector.shape_cast %swap3A_261 : vector<16xi32> to vector<16xi32>
    %swap3A_263 = vector.shape_cast %add3A_259 : vector<16xi32> to vector<16xi32>
    tpu.vector_store %arg5[%swap3A_260], %swap3A_263 {strides = array<i32>} : memref<1024xi32, #tpu.memory_space<vmem>>, vector<16xi32>,
    %get3A_264 = arith.constant 464 : index
    %get3A_265 = tpu.vector_load %arg5[%get3A_264] {strides = array<i32>} : memref<1024xi32, #tpu.memory_space<vmem>>, vector<16xi32>,
    %get3A_266 = vector.shape_cast %get3A_265 : vector<16xi32> to vector<16xi32>
    %add3A_267 = vector.broadcast %mul3A_4 : i32 to vector<16xi32>
    %add3A_268 = arith.addi %get3A_266, %add3A_267 : vector<16xi32>
    %swap3A_269 = arith.constant 464 : index
    %swap3A_270 = tpu.vector_load %arg5[%swap3A_269] {strides = array<i32>} : memref<1024xi32, #tpu.memory_space<vmem>>, vector<16xi32>,
    %swap3A_271 = vector.shape_cast %swap3A_270 : vector<16xi32> to vector<16xi32>
    %swap3A_272 = vector.shape_cast %add3A_268 : vector<16xi32> to vector<16xi32>
    tpu.vector_store %arg5[%swap3A_269], %swap3A_272 {strides = array<i32>} : memref<1024xi32, #tpu.memory_space<vmem>>, vector<16xi32>,
    %get3A_273 = arith.constant 480 : index
    %get3A_274 = tpu.vector_load %arg5[%get3A_273] {strides = array<i32>} : memref<1024xi32, #tpu.memory_space<vmem>>, vector<16xi32>,
    %get3A_275 = vector.shape_cast %get3A_274 : vector<16xi32> to vector<16xi32>
    %add3A_276 = vector.broadcast %mul3A_4 : i32 to vector<16xi32>
    %add3A_277 = arith.addi %get3A_275, %add3A_276 : vector<16xi32>
    %swap3A_278 = arith.constant 480 : index
    %swap3A_279 = tpu.vector_load %arg5[%swap3A_278] {strides = array<i32>} : memref<1024xi32, #tpu.memory_space<vmem>>, vector<16xi32>,
    %swap3A_280 = vector.shape_cast %swap3A_279 : vector<16xi32> to vector<16xi32>
    %swap3A_281 = vector.shape_cast %add3A_277 : vector<16xi32> to vector<16xi32>
    tpu.vector_store %arg5[%swap3A_278], %swap3A_281 {strides = array<i32>} : memref<1024xi32, #tpu.memory_space<vmem>>, vector<16xi32>,
    %get3A_282 = arith.constant 496 : index
    %get3A_283 = tpu.vector_load %arg5[%get3A_282] {strides = array<i32>} : memref<1024xi32, #tpu.memory_space<vmem>>, vector<16xi32>,
    %get3A_284 = vector.shape_cast %get3A_283 : vector<16xi32> to vector<16xi32>
    %add3A_285 = vector.broadcast %mul3A_4 : i32 to vector<16xi32>
    %add3A_286 = arith.addi %get3A_284, %add3A_285 : vector<16xi32>
    %swap3A_287 = arith.constant 496 : index
    %swap3A_288 = tpu.vector_load %arg5[%swap3A_287] {strides = array<i32>} : memref<1024xi32, #tpu.memory_space<vmem>>, vector<16xi32>,
    %swap3A_289 = vector.shape_cast %swap3A_288 : vector<16xi32> to vector<16xi32>
    %swap3A_290 = vector.shape_cast %add3A_286 : vector<16xi32> to vector<16xi32>
    tpu.vector_store %arg5[%swap3A_287], %swap3A_290 {strides = array<i32>} : memref<1024xi32, #tpu.memory_space<vmem>>, vector<16xi32>,
    %get3A_291 = arith.constant 512 : index
    %get3A_292 = tpu.vector_load %arg5[%get3A_291] {strides = array<i32>} : memref<1024xi32, #tpu.memory_space<vmem>>, vector<16xi32>,
    %get3A_293 = vector.shape_cast %get3A_292 : vector<16xi32> to vector<16xi32>
    %add3A_294 = vector.broadcast %mul3A_4 : i32 to vector<16xi32>
    %add3A_295 = arith.addi %get3A_293, %add3A_294 : vector<16xi32>
    %swap3A_296 = arith.constant 512 : index
    %swap3A_297 = tpu.vector_load %arg5[%swap3A_296] {strides = array<i32>} : memref<1024xi32, #tpu.memory_space<vmem>>, vector<16xi32>,
    %swap3A_298 = vector.shape_cast %swap3A_297 : vector<16xi32> to vector<16xi32>
    %swap3A_299 = vector.shape_cast %add3A_295 : vector<16xi32> to vector<16xi32>
    tpu.vector_store %arg5[%swap3A_296], %swap3A_299 {strides = array<i32>} : memref<1024xi32, #tpu.memory_space<vmem>>, vector<16xi32>,
    %get3A_300 = arith.constant 528 : index
    %get3A_301 = tpu.vector_load %arg5[%get3A_300] {strides = array<i32>} : memref<1024xi32, #tpu.memory_space<vmem>>, vector<16xi32>,
    %get3A_302 = vector.shape_cast %get3A_301 : vector<16xi32> to vector<16xi32>
    %add3A_303 = vector.broadcast %mul3A_4 : i32 to vector<16xi32>
    %add3A_304 = arith.addi %get3A_302, %add3A_303 : vector<16xi32>
    %swap3A_305 = arith.constant 528 : index
    %swap3A_306 = tpu.vector_load %arg5[%swap3A_305] {strides = array<i32>} : memref<1024xi32, #tpu.memory_space<vmem>>, vector<16xi32>,
    %swap3A_307 = vector.shape_cast %swap3A_306 : vector<16xi32> to vector<16xi32>
    %swap3A_308 = vector.shape_cast %add3A_304 : vector<16xi32> to vector<16xi32>
    tpu.vector_store %arg5[%swap3A_305], %swap3A_308 {strides = array<i32>} : memref<1024xi32, #tpu.memory_space<vmem>>, vector<16xi32>,
    %get3A_309 = arith.constant 544 : index
    %get3A_310 = tpu.vector_load %arg5[%get3A_309] {strides = array<i32>} : memref<1024xi32, #tpu.memory_space<vmem>>, vector<16xi32>,
    %get3A_311 = vector.shape_cast %get3A_310 : vector<16xi32> to vector<16xi32>
    %add3A_312 = vector.broadcast %mul3A_4 : i32 to vector<16xi32>
    %add3A_313 = arith.addi %get3A_311, %add3A_312 : vector<16xi32>
    %swap3A_314 = arith.constant 544 : index
    %swap3A_315 = tpu.vector_load %arg5[%swap3A_314] {strides = array<i32>} : memref<1024xi32, #tpu.memory_space<vmem>>, vector<16xi32>,
    %swap3A_316 = vector.shape_cast %swap3A_315 : vector<16xi32> to vector<16xi32>
    %swap3A_317 = vector.shape_cast %add3A_313 : vector<16xi32> to vector<16xi32>
    tpu.vector_store %arg5[%swap3A_314], %swap3A_317 {strides = array<i32>} : memref<1024xi32, #tpu.memory_space<vmem>>, vector<16xi32>,
    %get3A_318 = arith.constant 560 : index
    %get3A_319 = tpu.vector_load %arg5[%get3A_318] {strides = array<i32>} : memref<1024xi32, #tpu.memory_space<vmem>>, vector<16xi32>,
    %get3A_320 = vector.shape_cast %get3A_319 : vector<16xi32> to vector<16xi32>
    %add3A_321 = vector.broadcast %mul3A_4 : i32 to vector<16xi32>
    %add3A_322 = arith.addi %get3A_320, %add3A_321 : vector<16xi32>
    %swap3A_323 = arith.constant 560 : index
    %swap3A_324 = tpu.vector_load %arg5[%swap3A_323] {strides = array<i32>} : memref<1024xi32, #tpu.memory_space<vmem>>, vector<16xi32>,
    %swap3A_325 = vector.shape_cast %swap3A_324 : vector<16xi32> to vector<16xi32>
    %swap3A_326 = vector.shape_cast %add3A_322 : vector<16xi32> to vector<16xi32>
    tpu.vector_store %arg5[%swap3A_323], %swap3A_326 {strides = array<i32>} : memref<1024xi32, #tpu.memory_space<vmem>>, vector<16xi32>,
    %get3A_327 = arith.constant 576 : index
    %get3A_328 = tpu.vector_load %arg5[%get3A_327] {strides = array<i32>} : memref<1024xi32, #tpu.memory_space<vmem>>, vector<16xi32>,
    %get3A_329 = vector.shape_cast %get3A_328 : vector<16xi32> to vector<16xi32>
    %add3A_330 = vector.broadcast %mul3A_4 : i32 to vector<16xi32>
    %add3A_331 = arith.addi %get3A_329, %add3A_330 : vector<16xi32>
    %swap3A_332 = arith.constant 576 : index
    %swap3A_333 = tpu.vector_load %arg5[%swap3A_332] {strides = array<i32>} : memref<1024xi32, #tpu.memory_space<vmem>>, vector<16xi32>,
    %swap3A_334 = vector.shape_cast %swap3A_333 : vector<16xi32> to vector<16xi32>
    %swap3A_335 = vector.shape_cast %add3A_331 : vector<16xi32> to vector<16xi32>
    tpu.vector_store %arg5[%swap3A_332], %swap3A_335 {strides = array<i32>} : memref<1024xi32, #tpu.memory_space<vmem>>, vector<16xi32>,
    %get3A_336 = arith.constant 592 : index
    %get3A_337 = tpu.vector_load %arg5[%get3A_336] {strides = array<i32>} : memref<1024xi32, #tpu.memory_space<vmem>>, vector<16xi32>,
    %get3A_338 = vector.shape_cast %get3A_337 : vector<16xi32> to vector<16xi32>
    %add3A_339 = vector.broadcast %mul3A_4 : i32 to vector<16xi32>
    %add3A_340 = arith.addi %get3A_338, %add3A_339 : vector<16xi32>
    %swap3A_341 = arith.constant 592 : index
    %swap3A_342 = tpu.vector_load %arg5[%swap3A_341] {strides = array<i32>} : memref<1024xi32, #tpu.memory_space<vmem>>, vector<16xi32>,
    %swap3A_343 = vector.shape_cast %swap3A_342 : vector<16xi32> to vector<16xi32>
    %swap3A_344 = vector.shape_cast %add3A_340 : vector<16xi32> to vector<16xi32>
    tpu.vector_store %arg5[%swap3A_341], %swap3A_344 {strides = array<i32>} : memref<1024xi32, #tpu.memory_space<vmem>>, vector<16xi32>,
    %get3A_345 = arith.constant 608 : index
    %get3A_346 = tpu.vector_load %arg5[%get3A_345] {strides = array<i32>} : memref<1024xi32, #tpu.memory_space<vmem>>, vector<16xi32>,
    %get3A_347 = vector.shape_cast %get3A_346 : vector<16xi32> to vector<16xi32>
    %add3A_348 = vector.broadcast %mul3A_4 : i32 to vector<16xi32>
    %add3A_349 = arith.addi %get3A_347, %add3A_348 : vector<16xi32>
    %swap3A_350 = arith.constant 608 : index
    %swap3A_351 = tpu.vector_load %arg5[%swap3A_350] {strides = array<i32>} : memref<1024xi32, #tpu.memory_space<vmem>>, vector<16xi32>,
    %swap3A_352 = vector.shape_cast %swap3A_351 : vector<16xi32> to vector<16xi32>
    %swap3A_353 = vector.shape_cast %add3A_349 : vector<16xi32> to vector<16xi32>
    tpu.vector_store %arg5[%swap3A_350], %swap3A_353 {strides = array<i32>} : memref<1024xi32, #tpu.memory_space<vmem>>, vector<16xi32>,
    %get3A_354 = arith.constant 624 : index
    %get3A_355 = tpu.vector_load %arg5[%get3A_354] {strides = array<i32>} : memref<1024xi32, #tpu.memory_space<vmem>>, vector<16xi32>,
    %get3A_356 = vector.shape_cast %get3A_355 : vector<16xi32> to vector<16xi32>
    %add3A_357 = vector.broadcast %mul3A_4 : i32 to vector<16xi32>
    %add3A_358 = arith.addi %get3A_356, %add3A_357 : vector<16xi32>
    %swap3A_359 = arith.constant 624 : index
    %swap3A_360 = tpu.vector_load %arg5[%swap3A_359] {strides = array<i32>} : memref<1024xi32, #tpu.memory_space<vmem>>, vector<16xi32>,
    %swap3A_361 = vector.shape_cast %swap3A_360 : vector<16xi32> to vector<16xi32>
    %swap3A_362 = vector.shape_cast %add3A_358 : vector<16xi32> to vector<16xi32>
    tpu.vector_store %arg5[%swap3A_359], %swap3A_362 {strides = array<i32>} : memref<1024xi32, #tpu.memory_space<vmem>>, vector<16xi32>,
    %get3A_363 = arith.constant 640 : index
    %get3A_364 = tpu.vector_load %arg5[%get3A_363] {strides = array<i32>} : memref<1024xi32, #tpu.memory_space<vmem>>, vector<16xi32>,
    %get3A_365 = vector.shape_cast %get3A_364 : vector<16xi32> to vector<16xi32>
    %add3A_366 = vector.broadcast %mul3A_4 : i32 to vector<16xi32>
    %add3A_367 = arith.addi %get3A_365, %add3A_366 : vector<16xi32>
    %swap3A_368 = arith.constant 640 : index
    %swap3A_369 = tpu.vector_load %arg5[%swap3A_368] {strides = array<i32>} : memref<1024xi32, #tpu.memory_space<vmem>>, vector<16xi32>,
    %swap3A_370 = vector.shape_cast %swap3A_369 : vector<16xi32> to vector<16xi32>
    %swap3A_371 = vector.shape_cast %add3A_367 : vector<16xi32> to vector<16xi32>
    tpu.vector_store %arg5[%swap3A_368], %swap3A_371 {strides = array<i32>} : memref<1024xi32, #tpu.memory_space<vmem>>, vector<16xi32>,
    %get3A_372 = arith.constant 656 : index
    %get3A_373 = tpu.vector_load %arg5[%get3A_372] {strides = array<i32>} : memref<1024xi32, #tpu.memory_space<vmem>>, vector<16xi32>,
    %get3A_374 = vector.shape_cast %get3A_373 : vector<16xi32> to vector<16xi32>
    %add3A_375 = vector.broadcast %mul3A_4 : i32 to vector<16xi32>
    %add3A_376 = arith.addi %get3A_374, %add3A_375 : vector<16xi32>
    %swap3A_377 = arith.constant 656 : index
    %swap3A_378 = tpu.vector_load %arg5[%swap3A_377] {strides = array<i32>} : memref<1024xi32, #tpu.memory_space<vmem>>, vector<16xi32>,
    %swap3A_379 = vector.shape_cast %swap3A_378 : vector<16xi32> to vector<16xi32>
    %swap3A_380 = vector.shape_cast %add3A_376 : vector<16xi32> to vector<16xi32>
    tpu.vector_store %arg5[%swap3A_377], %swap3A_380 {strides = array<i32>} : memref<1024xi32, #tpu.memory_space<vmem>>, vector<16xi32>,
    %get3A_381 = arith.constant 672 : index
    %get3A_382 = tpu.vector_load %arg5[%get3A_381] {strides = array<i32>} : memref<1024xi32, #tpu.memory_space<vmem>>, vector<16xi32>,
    %get3A_383 = vector.shape_cast %get3A_382 : vector<16xi32> to vector<16xi32>
    %add3A_384 = vector.broadcast %mul3A_4 : i32 to vector<16xi32>
    %add3A_385 = arith.addi %get3A_383, %add3A_384 : vector<16xi32>
    %swap3A_386 = arith.constant 672 : index
    %swap3A_387 = tpu.vector_load %arg5[%swap3A_386] {strides = array<i32>} : memref<1024xi32, #tpu.memory_space<vmem>>, vector<16xi32>,
    %swap3A_388 = vector.shape_cast %swap3A_387 : vector<16xi32> to vector<16xi32>
    %swap3A_389 = vector.shape_cast %add3A_385 : vector<16xi32> to vector<16xi32>
    tpu.vector_store %arg5[%swap3A_386], %swap3A_389 {strides = array<i32>} : memref<1024xi32, #tpu.memory_space<vmem>>, vector<16xi32>,
    %get3A_390 = arith.constant 688 : index
    %get3A_391 = tpu.vector_load %arg5[%get3A_390] {strides = array<i32>} : memref<1024xi32, #tpu.memory_space<vmem>>, vector<16xi32>,
    %get3A_392 = vector.shape_cast %get3A_391 : vector<16xi32> to vector<16xi32>
    %add3A_393 = vector.broadcast %mul3A_4 : i32 to vector<16xi32>
    %add3A_394 = arith.addi %get3A_392, %add3A_393 : vector<16xi32>
    %swap3A_395 = arith.constant 688 : index
    %swap3A_396 = tpu.vector_load %arg5[%swap3A_395] {strides = array<i32>} : memref<1024xi32, #tpu.memory_space<vmem>>, vector<16xi32>,
    %swap3A_397 = vector.shape_cast %swap3A_396 : vector<16xi32> to vector<16xi32>
    %swap3A_398 = vector.shape_cast %add3A_394 : vector<16xi32> to vector<16xi32>
    tpu.vector_store %arg5[%swap3A_395], %swap3A_398 {strides = array<i32>} : memref<1024xi32, #tpu.memory_space<vmem>>, vector<16xi32>,
    %get3A_399 = arith.constant 704 : index
    %get3A_400 = tpu.vector_load %arg5[%get3A_399] {strides = array<i32>} : memref<1024xi32, #tpu.memory_space<vmem>>, vector<16xi32>,
    %get3A_401 = vector.shape_cast %get3A_400 : vector<16xi32> to vector<16xi32>
    %add3A_402 = vector.broadcast %mul3A_4 : i32 to vector<16xi32>
    %add3A_403 = arith.addi %get3A_401, %add3A_402 : vector<16xi32>
    %swap3A_404 = arith.constant 704 : index
    %swap3A_405 = tpu.vector_load %arg5[%swap3A_404] {strides = array<i32>} : memref<1024xi32, #tpu.memory_space<vmem>>, vector<16xi32>,
    %swap3A_406 = vector.shape_cast %swap3A_405 : vector<16xi32> to vector<16xi32>
    %swap3A_407 = vector.shape_cast %add3A_403 : vector<16xi32> to vector<16xi32>
    tpu.vector_store %arg5[%swap3A_404], %swap3A_407 {strides = array<i32>} : memref<1024xi32, #tpu.memory_space<vmem>>, vector<16xi32>,
    %get3A_408 = arith.constant 720 : index
    %get3A_409 = tpu.vector_load %arg5[%get3A_408] {strides = array<i32>} : memref<1024xi32, #tpu.memory_space<vmem>>, vector<16xi32>,
    %get3A_410 = vector.shape_cast %get3A_409 : vector<16xi32> to vector<16xi32>
    %add3A_411 = vector.broadcast %mul3A_4 : i32 to vector<16xi32>
    %add3A_412 = arith.addi %get3A_410, %add3A_411 : vector<16xi32>
    %swap3A_413 = arith.constant 720 : index
    %swap3A_414 = tpu.vector_load %arg5[%swap3A_413] {strides = array<i32>} : memref<1024xi32, #tpu.memory_space<vmem>>, vector<16xi32>,
    %swap3A_415 = vector.shape_cast %swap3A_414 : vector<16xi32> to vector<16xi32>
    %swap3A_416 = vector.shape_cast %add3A_412 : vector<16xi32> to vector<16xi32>
    tpu.vector_store %arg5[%swap3A_413], %swap3A_416 {strides = array<i32>} : memref<1024xi32, #tpu.memory_space<vmem>>, vector<16xi32>,
    %get3A_417 = arith.constant 736 : index
    %get3A_418 = tpu.vector_load %arg5[%get3A_417] {strides = array<i32>} : memref<1024xi32, #tpu.memory_space<vmem>>, vector<16xi32>,
    %get3A_419 = vector.shape_cast %get3A_418 : vector<16xi32> to vector<16xi32>
    %add3A_420 = vector.broadcast %mul3A_4 : i32 to vector<16xi32>
    %add3A_421 = arith.addi %get3A_419, %add3A_420 : vector<16xi32>
    %swap3A_422 = arith.constant 736 : index
    %swap3A_423 = tpu.vector_load %arg5[%swap3A_422] {strides = array<i32>} : memref<1024xi32, #tpu.memory_space<vmem>>, vector<16xi32>,
    %swap3A_424 = vector.shape_cast %swap3A_423 : vector<16xi32> to vector<16xi32>
    %swap3A_425 = vector.shape_cast %add3A_421 : vector<16xi32> to vector<16xi32>
    tpu.vector_store %arg5[%swap3A_422], %swap3A_425 {strides = array<i32>} : memref<1024xi32, #tpu.memory_space<vmem>>, vector<16xi32>,
    %get3A_426 = arith.constant 752 : index
    %get3A_427 = tpu.vector_load %arg5[%get3A_426] {strides = array<i32>} : memref<1024xi32, #tpu.memory_space<vmem>>, vector<16xi32>,
    %get3A_428 = vector.shape_cast %get3A_427 : vector<16xi32> to vector<16xi32>
    %add3A_429 = vector.broadcast %mul3A_4 : i32 to vector<16xi32>
    %add3A_430 = arith.addi %get3A_428, %add3A_429 : vector<16xi32>
    %swap3A_431 = arith.constant 752 : index
    %swap3A_432 = tpu.vector_load %arg5[%swap3A_431] {strides = array<i32>} : memref<1024xi32, #tpu.memory_space<vmem>>, vector<16xi32>,
    %swap3A_433 = vector.shape_cast %swap3A_432 : vector<16xi32> to vector<16xi32>
    %swap3A_434 = vector.shape_cast %add3A_430 : vector<16xi32> to vector<16xi32>
    tpu.vector_store %arg5[%swap3A_431], %swap3A_434 {strides = array<i32>} : memref<1024xi32, #tpu.memory_space<vmem>>, vector<16xi32>,
    %get3A_435 = arith.constant 768 : index
    %get3A_436 = tpu.vector_load %arg5[%get3A_435] {strides = array<i32>} : memref<1024xi32, #tpu.memory_space<vmem>>, vector<16xi32>,
    %get3A_437 = vector.shape_cast %get3A_436 : vector<16xi32> to vector<16xi32>
    %add3A_438 = vector.broadcast %mul3A_4 : i32 to vector<16xi32>
    %add3A_439 = arith.addi %get3A_437, %add3A_438 : vector<16xi32>
    %swap3A_440 = arith.constant 768 : index
    %swap3A_441 = tpu.vector_load %arg5[%swap3A_440] {strides = array<i32>} : memref<1024xi32, #tpu.memory_space<vmem>>, vector<16xi32>,
    %swap3A_442 = vector.shape_cast %swap3A_441 : vector<16xi32> to vector<16xi32>
    %swap3A_443 = vector.shape_cast %add3A_439 : vector<16xi32> to vector<16xi32>
    tpu.vector_store %arg5[%swap3A_440], %swap3A_443 {strides = array<i32>} : memref<1024xi32, #tpu.memory_space<vmem>>, vector<16xi32>,
    %get3A_444 = arith.constant 784 : index
    %get3A_445 = tpu.vector_load %arg5[%get3A_444] {strides = array<i32>} : memref<1024xi32, #tpu.memory_space<vmem>>, vector<16xi32>,
    %get3A_446 = vector.shape_cast %get3A_445 : vector<16xi32> to vector<16xi32>
    %add3A_447 = vector.broadcast %mul3A_4 : i32 to vector<16xi32>
    %add3A_448 = arith.addi %get3A_446, %add3A_447 : vector<16xi32>
    %swap3A_449 = arith.constant 784 : index
    %swap3A_450 = tpu.vector_load %arg5[%swap3A_449] {strides = array<i32>} : memref<1024xi32, #tpu.memory_space<vmem>>, vector<16xi32>,
    %swap3A_451 = vector.shape_cast %swap3A_450 : vector<16xi32> to vector<16xi32>
    %swap3A_452 = vector.shape_cast %add3A_448 : vector<16xi32> to vector<16xi32>
    tpu.vector_store %arg5[%swap3A_449], %swap3A_452 {strides = array<i32>} : memref<1024xi32, #tpu.memory_space<vmem>>, vector<16xi32>,
    %get3A_453 = arith.constant 800 : index
    %get3A_454 = tpu.vector_load %arg5[%get3A_453] {strides = array<i32>} : memref<1024xi32, #tpu.memory_space<vmem>>, vector<16xi32>,
    %get3A_455 = vector.shape_cast %get3A_454 : vector<16xi32> to vector<16xi32>
    %add3A_456 = vector.broadcast %mul3A_4 : i32 to vector<16xi32>
    %add3A_457 = arith.addi %get3A_455, %add3A_456 : vector<16xi32>
    %swap3A_458 = arith.constant 800 : index
    %swap3A_459 = tpu.vector_load %arg5[%swap3A_458] {strides = array<i32>} : memref<1024xi32, #tpu.memory_space<vmem>>, vector<16xi32>,
    %swap3A_460 = vector.shape_cast %swap3A_459 : vector<16xi32> to vector<16xi32>
    %swap3A_461 = vector.shape_cast %add3A_457 : vector<16xi32> to vector<16xi32>
    tpu.vector_store %arg5[%swap3A_458], %swap3A_461 {strides = array<i32>} : memref<1024xi32, #tpu.memory_space<vmem>>, vector<16xi32>,
    %get3A_462 = arith.constant 816 : index
    %get3A_463 = tpu.vector_load %arg5[%get3A_462] {strides = array<i32>} : memref<1024xi32, #tpu.memory_space<vmem>>, vector<16xi32>,
    %get3A_464 = vector.shape_cast %get3A_463 : vector<16xi32> to vector<16xi32>
    %add3A_465 = vector.broadcast %mul3A_4 : i32 to vector<16xi32>
    %add3A_466 = arith.addi %get3A_464, %add3A_465 : vector<16xi32>
    %swap3A_467 = arith.constant 816 : index
    %swap3A_468 = tpu.vector_load %arg5[%swap3A_467] {strides = array<i32>} : memref<1024xi32, #tpu.memory_space<vmem>>, vector<16xi32>,
    %swap3A_469 = vector.shape_cast %swap3A_468 : vector<16xi32> to vector<16xi32>
    %swap3A_470 = vector.shape_cast %add3A_466 : vector<16xi32> to vector<16xi32>
    tpu.vector_store %arg5[%swap3A_467], %swap3A_470 {strides = array<i32>} : memref<1024xi32, #tpu.memory_space<vmem>>, vector<16xi32>,
    %get3A_471 = arith.constant 832 : index
    %get3A_472 = tpu.vector_load %arg5[%get3A_471] {strides = array<i32>} : memref<1024xi32, #tpu.memory_space<vmem>>, vector<16xi32>,
    %get3A_473 = vector.shape_cast %get3A_472 : vector<16xi32> to vector<16xi32>
    %add3A_474 = vector.broadcast %mul3A_4 : i32 to vector<16xi32>
    %add3A_475 = arith.addi %get3A_473, %add3A_474 : vector<16xi32>
    %swap3A_476 = arith.constant 832 : index
    %swap3A_477 = tpu.vector_load %arg5[%swap3A_476] {strides = array<i32>} : memref<1024xi32, #tpu.memory_space<vmem>>, vector<16xi32>,
    %swap3A_478 = vector.shape_cast %swap3A_477 : vector<16xi32> to vector<16xi32>
    %swap3A_479 = vector.shape_cast %add3A_475 : vector<16xi32> to vector<16xi32>
    tpu.vector_store %arg5[%swap3A_476], %swap3A_479 {strides = array<i32>} : memref<1024xi32, #tpu.memory_space<vmem>>, vector<16xi32>,
    %get3A_480 = arith.constant 848 : index
    %get3A_481 = tpu.vector_load %arg5[%get3A_480] {strides = array<i32>} : memref<1024xi32, #tpu.memory_space<vmem>>, vector<16xi32>,
    %get3A_482 = vector.shape_cast %get3A_481 : vector<16xi32> to vector<16xi32>
    %add3A_483 = vector.broadcast %mul3A_4 : i32 to vector<16xi32>
    %add3A_484 = arith.addi %get3A_482, %add3A_483 : vector<16xi32>
    %swap3A_485 = arith.constant 848 : index
    %swap3A_486 = tpu.vector_load %arg5[%swap3A_485] {strides = array<i32>} : memref<1024xi32, #tpu.memory_space<vmem>>, vector<16xi32>,
    %swap3A_487 = vector.shape_cast %swap3A_486 : vector<16xi32> to vector<16xi32>
    %swap3A_488 = vector.shape_cast %add3A_484 : vector<16xi32> to vector<16xi32>
    tpu.vector_store %arg5[%swap3A_485], %swap3A_488 {strides = array<i32>} : memref<1024xi32, #tpu.memory_space<vmem>>, vector<16xi32>,
    %get3A_489 = arith.constant 864 : index
    %get3A_490 = tpu.vector_load %arg5[%get3A_489] {strides = array<i32>} : memref<1024xi32, #tpu.memory_space<vmem>>, vector<16xi32>,
    %get3A_491 = vector.shape_cast %get3A_490 : vector<16xi32> to vector<16xi32>
    %add3A_492 = vector.broadcast %mul3A_4 : i32 to vector<16xi32>
    %add3A_493 = arith.addi %get3A_491, %add3A_492 : vector<16xi32>
    %swap3A_494 = arith.constant 864 : index
    %swap3A_495 = tpu.vector_load %arg5[%swap3A_494] {strides = array<i32>} : memref<1024xi32, #tpu.memory_space<vmem>>, vector<16xi32>,
    %swap3A_496 = vector.shape_cast %swap3A_495 : vector<16xi32> to vector<16xi32>
    %swap3A_497 = vector.shape_cast %add3A_493 : vector<16xi32> to vector<16xi32>
    tpu.vector_store %arg5[%swap3A_494], %swap3A_497 {strides = array<i32>} : memref<1024xi32, #tpu.memory_space<vmem>>, vector<16xi32>,
    %get3A_498 = arith.constant 880 : index
    %get3A_499 = tpu.vector_load %arg5[%get3A_498] {strides = array<i32>} : memref<1024xi32, #tpu.memory_space<vmem>>, vector<16xi32>,
    %get3A_500 = vector.shape_cast %get3A_499 : vector<16xi32> to vector<16xi32>
    %add3A_501 = vector.broadcast %mul3A_4 : i32 to vector<16xi32>
    %add3A_502 = arith.addi %get3A_500, %add3A_501 : vector<16xi32>
    %swap3A_503 = arith.constant 880 : index
    %swap3A_504 = tpu.vector_load %arg5[%swap3A_503] {strides = array<i32>} : memref<1024xi32, #tpu.memory_space<vmem>>, vector<16xi32>,
    %swap3A_505 = vector.shape_cast %swap3A_504 : vector<16xi32> to vector<16xi32>
    %swap3A_506 = vector.shape_cast %add3A_502 : vector<16xi32> to vector<16xi32>
    tpu.vector_store %arg5[%swap3A_503], %swap3A_506 {strides = array<i32>} : memref<1024xi32, #tpu.memory_space<vmem>>, vector<16xi32>,
    %get3A_507 = arith.constant 896 : index
    %get3A_508 = tpu.vector_load %arg5[%get3A_507] {strides = array<i32>} : memref<1024xi32, #tpu.memory_space<vmem>>, vector<16xi32>,
    %get3A_509 = vector.shape_cast %get3A_508 : vector<16xi32> to vector<16xi32>
    %add3A_510 = vector.broadcast %mul3A_4 : i32 to vector<16xi32>
    %add3A_511 = arith.addi %get3A_509, %add3A_510 : vector<16xi32>
    %swap3A_512 = arith.constant 896 : index
    %swap3A_513 = tpu.vector_load %arg5[%swap3A_512] {strides = array<i32>} : memref<1024xi32, #tpu.memory_space<vmem>>, vector<16xi32>,
    %swap3A_514 = vector.shape_cast %swap3A_513 : vector<16xi32> to vector<16xi32>
    %swap3A_515 = vector.shape_cast %add3A_511 : vector<16xi32> to vector<16xi32>
    tpu.vector_store %arg5[%swap3A_512], %swap3A_515 {strides = array<i32>} : memref<1024xi32, #tpu.memory_space<vmem>>, vector<16xi32>,
    %get3A_516 = arith.constant 912 : index
    %get3A_517 = tpu.vector_load %arg5[%get3A_516] {strides = array<i32>} : memref<1024xi32, #tpu.memory_space<vmem>>, vector<16xi32>,
    %get3A_518 = vector.shape_cast %get3A_517 : vector<16xi32> to vector<16xi32>
    %add3A_519 = vector.broadcast %mul3A_4 : i32 to vector<16xi32>
    %add3A_520 = arith.addi %get3A_518, %add3A_519 : vector<16xi32>
    %swap3A_521 = arith.constant 912 : index
    %swap3A_522 = tpu.vector_load %arg5[%swap3A_521] {strides = array<i32>} : memref<1024xi32, #tpu.memory_space<vmem>>, vector<16xi32>,
    %swap3A_523 = vector.shape_cast %swap3A_522 : vector<16xi32> to vector<16xi32>
    %swap3A_524 = vector.shape_cast %add3A_520 : vector<16xi32> to vector<16xi32>
    tpu.vector_store %arg5[%swap3A_521], %swap3A_524 {strides = array<i32>} : memref<1024xi32, #tpu.memory_space<vmem>>, vector<16xi32>,
    %get3A_525 = arith.constant 928 : index
    %get3A_526 = tpu.vector_load %arg5[%get3A_525] {strides = array<i32>} : memref<1024xi32, #tpu.memory_space<vmem>>, vector<16xi32>,
    %get3A_527 = vector.shape_cast %get3A_526 : vector<16xi32> to vector<16xi32>
    %add3A_528 = vector.broadcast %mul3A_4 : i32 to vector<16xi32>
    %add3A_529 = arith.addi %get3A_527, %add3A_528 : vector<16xi32>
    %swap3A_530 = arith.constant 928 : index
    %swap3A_531 = tpu.vector_load %arg5[%swap3A_530] {strides = array<i32>} : memref<1024xi32, #tpu.memory_space<vmem>>, vector<16xi32>,
    %swap3A_532 = vector.shape_cast %swap3A_531 : vector<16xi32> to vector<16xi32>
    %swap3A_533 = vector.shape_cast %add3A_529 : vector<16xi32> to vector<16xi32>
    tpu.vector_store %arg5[%swap3A_530], %swap3A_533 {strides = array<i32>} : memref<1024xi32, #tpu.memory_space<vmem>>, vector<16xi32>,
    %get3A_534 = arith.constant 944 : index
    %get3A_535 = tpu.vector_load %arg5[%get3A_534] {strides = array<i32>} : memref<1024xi32, #tpu.memory_space<vmem>>, vector<16xi32>,
    %get3A_536 = vector.shape_cast %get3A_535 : vector<16xi32> to vector<16xi32>
    %add3A_537 = vector.broadcast %mul3A_4 : i32 to vector<16xi32>
    %add3A_538 = arith.addi %get3A_536, %add3A_537 : vector<16xi32>
    %swap3A_539 = arith.constant 944 : index
    %swap3A_540 = tpu.vector_load %arg5[%swap3A_539] {strides = array<i32>} : memref<1024xi32, #tpu.memory_space<vmem>>, vector<16xi32>,
    %swap3A_541 = vector.shape_cast %swap3A_540 : vector<16xi32> to vector<16xi32>
    %swap3A_542 = vector.shape_cast %add3A_538 : vector<16xi32> to vector<16xi32>
    tpu.vector_store %arg5[%swap3A_539], %swap3A_542 {strides = array<i32>} : memref<1024xi32, #tpu.memory_space<vmem>>, vector<16xi32>,
    %get3A_543 = arith.constant 960 : index
    %get3A_544 = tpu.vector_load %arg5[%get3A_543] {strides = array<i32>} : memref<1024xi32, #tpu.memory_space<vmem>>, vector<16xi32>,
    %get3A_545 = vector.shape_cast %get3A_544 : vector<16xi32> to vector<16xi32>
    %add3A_546 = vector.broadcast %mul3A_4 : i32 to vector<16xi32>
    %add3A_547 = arith.addi %get3A_545, %add3A_546 : vector<16xi32>
    %swap3A_548 = arith.constant 960 : index
    %swap3A_549 = tpu.vector_load %arg5[%swap3A_548] {strides = array<i32>} : memref<1024xi32, #tpu.memory_space<vmem>>, vector<16xi32>,
    %swap3A_550 = vector.shape_cast %swap3A_549 : vector<16xi32> to vector<16xi32>
    %swap3A_551 = vector.shape_cast %add3A_547 : vector<16xi32> to vector<16xi32>
    tpu.vector_store %arg5[%swap3A_548], %swap3A_551 {strides = array<i32>} : memref<1024xi32, #tpu.memory_space<vmem>>, vector<16xi32>,
    %get3A_552 = arith.constant 976 : index
    %get3A_553 = tpu.vector_load %arg5[%get3A_552] {strides = array<i32>} : memref<1024xi32, #tpu.memory_space<vmem>>, vector<16xi32>,
    %get3A_554 = vector.shape_cast %get3A_553 : vector<16xi32> to vector<16xi32>
    %add3A_555 = vector.broadcast %mul3A_4 : i32 to vector<16xi32>
    %add3A_556 = arith.addi %get3A_554, %add3A_555 : vector<16xi32>
    %swap3A_557 = arith.constant 976 : index
    %swap3A_558 = tpu.vector_load %arg5[%swap3A_557] {strides = array<i32>} : memref<1024xi32, #tpu.memory_space<vmem>>, vector<16xi32>,
    %swap3A_559 = vector.shape_cast %swap3A_558 : vector<16xi32> to vector<16xi32>
    %swap3A_560 = vector.shape_cast %add3A_556 : vector<16xi32> to vector<16xi32>
    tpu.vector_store %arg5[%swap3A_557], %swap3A_560 {strides = array<i32>} : memref<1024xi32, #tpu.memory_space<vmem>>, vector<16xi32>,
    %get3A_561 = arith.constant 992 : index
    %get3A_562 = tpu.vector_load %arg5[%get3A_561] {strides = array<i32>} : memref<1024xi32, #tpu.memory_space<vmem>>, vector<16xi32>,
    %get3A_563 = vector.shape_cast %get3A_562 : vector<16xi32> to vector<16xi32>
    %add3A_564 = vector.broadcast %mul3A_4 : i32 to vector<16xi32>
    %add3A_565 = arith.addi %get3A_563, %add3A_564 : vector<16xi32>
    %swap3A_566 = arith.constant 992 : index
    %swap3A_567 = tpu.vector_load %arg5[%swap3A_566] {strides = array<i32>} : memref<1024xi32, #tpu.memory_space<vmem>>, vector<16xi32>,
    %swap3A_568 = vector.shape_cast %swap3A_567 : vector<16xi32> to vector<16xi32>
    %swap3A_569 = vector.shape_cast %add3A_565 : vector<16xi32> to vector<16xi32>
    tpu.vector_store %arg5[%swap3A_566], %swap3A_569 {strides = array<i32>} : memref<1024xi32, #tpu.memory_space<vmem>>, vector<16xi32>,
    %get3A_570 = arith.constant 1008 : index
    %get3A_571 = tpu.vector_load %arg5[%get3A_570] {strides = array<i32>} : memref<1024xi32, #tpu.memory_space<vmem>>, vector<16xi32>,
    %get3A_572 = vector.shape_cast %get3A_571 : vector<16xi32> to vector<16xi32>
    %add3A_573 = vector.broadcast %mul3A_4 : i32 to vector<16xi32>
    %add3A_574 = arith.addi %get3A_572, %add3A_573 : vector<16xi32>
    %swap3A_575 = arith.constant 1008 : index
    %swap3A_576 = tpu.vector_load %arg5[%swap3A_575] {strides = array<i32>} : memref<1024xi32, #tpu.memory_space<vmem>>, vector<16xi32>,
    %swap3A_577 = vector.shape_cast %swap3A_576 : vector<16xi32> to vector<16xi32>
    %swap3A_578 = vector.shape_cast %add3A_574 : vector<16xi32> to vector<16xi32>
    tpu.vector_store %arg5[%swap3A_575], %swap3A_578 {strides = array<i32>} : memref<1024xi32, #tpu.memory_space<vmem>>, vector<16xi32>,
    %scan3A = arith.constant 0 : i32
    %scan3A_579 = arith.constant 0 : i32
    %scan3A_580 = arith.constant 16 : i32
    %scan3A_581 = arith.addi %scan3A_579, %scan3A_580 : i32
    %scan3A_582 = arith.constant 1 : i32
    scf.for %scan3A_591 = %scan3A_579 to %scan3A_581 step %scan3A_582  : i32 {
      %mul3A_592 = arith.constant 2 : i32
      %mul3A_593 = arith.muli %mul3A_592, %scan3A_591 : i32
      %add3A_594 = arith.constant 0 : i32
      %add3A_595 = arith.addi %mul3A_593, %add3A_594 : i32
      %mul3A_596 = arith.constant 32 : i32
      %mul3A_597 = arith.muli %add3A_595, %mul3A_596 : i32
      %gt3A = arith.constant 0 : i32
      %gt3A_598 = arith.cmpi sgt, %scan3A_591, %gt3A : i32
      %convert_element_type3A = arith.extui %gt3A_598 : i1 to i32
      %cond3A = arith.constant 0 : i32
      %cond3A_599 = arith.cmpi ne, %convert_element_type3A, %cond3A : i32
      scf.if %cond3A_599 {
        %dma_wait3A_636 = arith.constant 0 : i32
        %dma_wait3A_637 = tpu.memref_slice %arg4[%mul3A_2, %dma_wait3A_636] : memref<32768x1024xf32, #tpu.memory_space<hbm>> -> memref<32x1024xf32, #tpu.memory_space<hbm>>
        %dma_wait3A_638 = arith.constant 0 : i32
        %dma_wait3A_639 = tpu.memref_slice %arg4[%mul3A_2, %dma_wait3A_638] : memref<32768x1024xf32, #tpu.memory_space<hbm>> -> memref<32x1024xf32, #tpu.memory_space<hbm>>
        tpu.wait_dma2 semaphore(%arg9 : memref<!tpu.dma_semaphore, #tpu.memory_space<semaphore_mem>>) src(%arg6 : memref<32x1024xf32, #tpu.memory_space<vmem>>) dst(%dma_wait3A_639 : memref<32x1024xf32, #tpu.memory_space<hbm>>)
      } else {
      }
      %dma_start3A = tpu.memref_slice %arg5[%mul3A_597] : memref<1024xi32, #tpu.memory_space<vmem>> -> memref<32xi32, #tpu.memory_space<vmem>>
      %dma_start3A_600 = arith.constant 0 : i32
      %dma_start3A_601 = arith.constant 0 : i32
      %dma_start3A_602 = tpu.memref_slice %arg2[%dma_start3A_600, %dma_start3A_601] : memref<64x1024xf32, #tpu.memory_space<hbm>> -> memref<64x1024xf32, #tpu.memory_space<hbm>>
      tpu.enqueue_indirect_dma source(%dma_start3A_602 : memref<64x1024xf32, #tpu.memory_space<hbm>>) target(%arg6 : memref<32x1024xf32, #tpu.memory_space<vmem>>) offsets(%dma_start3A : memref<32xi32, #tpu.memory_space<vmem>>) semaphore(%arg8 : memref<!tpu.dma_semaphore, #tpu.memory_space<semaphore_mem>>)
      %dma_wait3A_603 = tpu.memref_slice %arg5[%mul3A_597] : memref<1024xi32, #tpu.memory_space<vmem>> -> memref<32xi32, #tpu.memory_space<vmem>>
      %dma_wait3A_604 = arith.constant 0 : i32
      %dma_wait3A_605 = arith.constant 0 : i32
      %dma_wait3A_606 = tpu.memref_slice %arg2[%dma_wait3A_604, %dma_wait3A_605] : memref<64x1024xf32, #tpu.memory_space<hbm>> -> memref<64x1024xf32, #tpu.memory_space<hbm>>
      tpu.wait_indirect_dma semaphore(%arg8 : memref<!tpu.dma_semaphore, #tpu.memory_space<semaphore_mem>>) src(%dma_wait3A_606 : memref<64x1024xf32, #tpu.memory_space<hbm>>) dst(%arg6 : memref<32x1024xf32, #tpu.memory_space<vmem>>)
      %add3A_607 = arith.addi %mul3A_2, %mul3A_597 : i32
      %dma_start3A_608 = arith.constant 0 : i32
      %dma_start3A_609 = tpu.memref_slice %arg4[%add3A_607, %dma_start3A_608] : memref<32768x1024xf32, #tpu.memory_space<hbm>> -> memref<32x1024xf32, #tpu.memory_space<hbm>>
      %dma_start3A_610 = arith.constant 0 : i32
      %dma_start3A_611 = tpu.memref_slice %arg4[%add3A_607, %dma_start3A_610] : memref<32768x1024xf32, #tpu.memory_space<hbm>> -> memref<32x1024xf32, #tpu.memory_space<hbm>>
      tpu.enqueue_dma source(%arg6 : memref<32x1024xf32, #tpu.memory_space<vmem>>) target(%dma_start3A_611 : memref<32x1024xf32, #tpu.memory_space<hbm>>) target_semaphore(%arg9 : memref<!tpu.dma_semaphore, #tpu.memory_space<semaphore_mem>>)
      %mul3A_612 = arith.constant 2 : i32
      %mul3A_613 = arith.muli %mul3A_612, %scan3A_591 : i32
      %add3A_614 = arith.constant 1 : i32
      %add3A_615 = arith.addi %mul3A_613, %add3A_614 : i32
      %mul3A_616 = arith.constant 32 : i32
      %mul3A_617 = arith.muli %add3A_615, %mul3A_616 : i32
      %gt3A_618 = arith.constant 0 : i32
      %gt3A_619 = arith.cmpi sgt, %scan3A_591, %gt3A_618 : i32
      %convert_element_type3A_620 = arith.extui %gt3A_619 : i1 to i32
      %cond3A_621 = arith.constant 0 : i32
      %cond3A_622 = arith.cmpi ne, %convert_element_type3A_620, %cond3A_621 : i32
      scf.if %cond3A_622 {
        %dma_wait3A_636 = arith.constant 0 : i32
        %dma_wait3A_637 = tpu.memref_slice %arg4[%mul3A_2, %dma_wait3A_636] : memref<32768x1024xf32, #tpu.memory_space<hbm>> -> memref<32x1024xf32, #tpu.memory_space<hbm>>
        %dma_wait3A_638 = arith.constant 0 : i32
        %dma_wait3A_639 = tpu.memref_slice %arg4[%mul3A_2, %dma_wait3A_638] : memref<32768x1024xf32, #tpu.memory_space<hbm>> -> memref<32x1024xf32, #tpu.memory_space<hbm>>
        tpu.wait_dma2 semaphore(%arg10 : memref<!tpu.dma_semaphore, #tpu.memory_space<semaphore_mem>>) src(%arg7 : memref<32x1024xf32, #tpu.memory_space<vmem>>) dst(%dma_wait3A_639 : memref<32x1024xf32, #tpu.memory_space<hbm>>)
      } else {
      }
      %dma_start3A_623 = tpu.memref_slice %arg5[%mul3A_617] : memref<1024xi32, #tpu.memory_space<vmem>> -> memref<32xi32, #tpu.memory_space<vmem>>
      %dma_start3A_624 = arith.constant 0 : i32
      %dma_start3A_625 = arith.constant 0 : i32
      %dma_start3A_626 = tpu.memref_slice %arg2[%dma_start3A_624, %dma_start3A_625] : memref<64x1024xf32, #tpu.memory_space<hbm>> -> memref<64x1024xf32, #tpu.memory_space<hbm>>
      tpu.enqueue_indirect_dma source(%dma_start3A_626 : memref<64x1024xf32, #tpu.memory_space<hbm>>) target(%arg7 : memref<32x1024xf32, #tpu.memory_space<vmem>>) offsets(%dma_start3A_623 : memref<32xi32, #tpu.memory_space<vmem>>) semaphore(%arg8 : memref<!tpu.dma_semaphore, #tpu.memory_space<semaphore_mem>>)
      %dma_wait3A_627 = tpu.memref_slice %arg5[%mul3A_617] : memref<1024xi32, #tpu.memory_space<vmem>> -> memref<32xi32, #tpu.memory_space<vmem>>
      %dma_wait3A_628 = arith.constant 0 : i32
      %dma_wait3A_629 = arith.constant 0 : i32
      %dma_wait3A_630 = tpu.memref_slice %arg2[%dma_wait3A_628, %dma_wait3A_629] : memref<64x1024xf32, #tpu.memory_space<hbm>> -> memref<64x1024xf32, #tpu.memory_space<hbm>>
      tpu.wait_indirect_dma semaphore(%arg8 : memref<!tpu.dma_semaphore, #tpu.memory_space<semaphore_mem>>) src(%dma_wait3A_630 : memref<64x1024xf32, #tpu.memory_space<hbm>>) dst(%arg7 : memref<32x1024xf32, #tpu.memory_space<vmem>>)
      %add3A_631 = arith.addi %mul3A_2, %mul3A_617 : i32
      %dma_start3A_632 = arith.constant 0 : i32
      %dma_start3A_633 = tpu.memref_slice %arg4[%add3A_631, %dma_start3A_632] : memref<32768x1024xf32, #tpu.memory_space<hbm>> -> memref<32x1024xf32, #tpu.memory_space<hbm>>
      %dma_start3A_634 = arith.constant 0 : i32
      %dma_start3A_635 = tpu.memref_slice %arg4[%add3A_631, %dma_start3A_634] : memref<32768x1024xf32, #tpu.memory_space<hbm>> -> memref<32x1024xf32, #tpu.memory_space<hbm>>
      tpu.enqueue_dma source(%arg7 : memref<32x1024xf32, #tpu.memory_space<vmem>>) target(%dma_start3A_635 : memref<32x1024xf32, #tpu.memory_space<hbm>>) target_semaphore(%arg10 : memref<!tpu.dma_semaphore, #tpu.memory_space<semaphore_mem>>)
    }
    %scan3A_583 = arith.constant 16 : i32
    %dma_wait3A = arith.constant 0 : i32
    %dma_wait3A_584 = tpu.memref_slice %arg4[%mul3A_2, %dma_wait3A] : memref<32768x1024xf32, #tpu.memory_space<hbm>> -> memref<32x1024xf32, #tpu.memory_space<hbm>>
    %dma_wait3A_585 = arith.constant 0 : i32
    %dma_wait3A_586 = tpu.memref_slice %arg4[%mul3A_2, %dma_wait3A_585] : memref<32768x1024xf32, #tpu.memory_space<hbm>> -> memref<32x1024xf32, #tpu.memory_space<hbm>>
    tpu.wait_dma2 semaphore(%arg9 : memref<!tpu.dma_semaphore, #tpu.memory_space<semaphore_mem>>) src(%arg6 : memref<32x1024xf32, #tpu.memory_space<vmem>>) dst(%dma_wait3A_586 : memref<32x1024xf32, #tpu.memory_space<hbm>>)
    %dma_wait3A_587 = arith.constant 0 : i32
    %dma_wait3A_588 = tpu.memref_slice %arg4[%mul3A_2, %dma_wait3A_587] : memref<32768x1024xf32, #tpu.memory_space<hbm>> -> memref<32x1024xf32, #tpu.memory_space<hbm>>
    %dma_wait3A_589 = arith.constant 0 : i32
    %dma_wait3A_590 = tpu.memref_slice %arg4[%mul3A_2, %dma_wait3A_589] : memref<32768x1024xf32, #tpu.memory_space<hbm>> -> memref<32x1024xf32, #tpu.memory_space<hbm>>
    tpu.wait_dma2 semaphore(%arg10 : memref<!tpu.dma_semaphore, #tpu.memory_space<semaphore_mem>>) src(%arg7 : memref<32x1024xf32, #tpu.memory_space<vmem>>) dst(%dma_wait3A_590 : memref<32x1024xf32, #tpu.memory_space<hbm>>)
    return
  }
}

</mosaic_0001>

<sc_bundles>
// kernel: kernel.3.cloned.1.call-start
scs
__scs_entry_jumppad:
0x0: {  	(pc) =	sbr.rel $0x88, $3  }
0x1: {  	(tag) =	ssettag $0x0;
	lr =	simm.s32 $0x1  }
0x2: {  	[smem:$0x3F9F] =	sst lr;
	_ =	strace $0xD0000000  }
0x3: {  	_ = 	snop  }
0x4: {  	_ = 	snop  }
0x5: {  	_ = 	snop  }
0x6: {  	_ = 	snop  }
0x7: {  	_ = 	snop  }
__scs_overlays_trampoline_lowered:
0x8: {  	[smem:$0x3FAE] =	sst s0  }
0x9: {  	[smem:$0x3FAF] =	sst s1  }
0xa: {  	[smem:$0x3FB0] =	sst s2  }
0xb: {  	[smem:$0x3FB1] =	sst s3  }
0xc: {  	[smem:$0x3FB2] =	sst s4  }
0xd: {  	[smem:$0x3FB3] =	sst s5  }
0xe: {  	[smem:$0x3FB4] =	sst s6  }
0xf: {  	[smem:$0x3FB5] =	sst s7  }
0x10: {  	[smem:$0x3FB6] =	sst s8  }
0x11: {  	[smem:$0x3FB7] =	sst s9;
	s0 =	simm.s32 @!p0 $0x0  }
0x12: {  	s1 =	sld [smem:$0x3F9D];
	s0 =	simm.s32 @p0 $0x1  }
0x13: {  	[smem:$0x3FB8] =	sst s0;
	s0 =	simm.s32 @!p1 $0x0  }
0x14: {  	s2 =	sld [smem:$0x3F9C];
	s0 =	simm.s32 @p1 $0x1  }
0x15: {  	[smem:$0x3FB9] =	sst s0;
	s0 =	simm.s32 @!p2 $0x0  }
0x16: {  	s3 =	sld [smem:$0x3FDB];
	s0 =	simm.s32 @p2 $0x1  }
0x17: {  	s4 =	simm.s32 $0x1BF5;
	[smem:$0x3FBB] =	sst s0  }
0x18: {  	s0 =	sld [smem:$0x3F9E];
	_ =	swait.ge [sflag:s4], $0x0  }
0x19: {  	s7 =	sld [smem:$0x3F9F]  }
0x1a: {  	s8 =	sadd.s32 $0xFFFFE003, lr  }
0x1b: {  	s9 =	sadd.s32 $0xFFFFFEF7, lr;
	s5 =	simm.s32 $0xFFFFFFFF;
	p2 =	slt.u32 s8, $0xFFFFF086  }
0x1c: {  	p1 =	slt.u32 s9, $0xF7A;
	s5 =	simm.s32 @!p2 $0x0  }
0x1d: {  	s5 =	simm.s32 @p1 $0x1;
	p0 =	seq.s32 s7, s2  }
0x1e: {  	s7 =	smul.u32 @!p0 $0xF7A, s2;
	p2 =	seq.s32 @!p0 s5, $0x0  }
0x1f: {  	s9 =	smul.u32 $0xF7A, s1;
	s8 =	simm.s32 @!p0 $0x1BF5;
	p2 =	por !p2, p0  }
0x20: {  	[sflag:s8] =	ssyncset.s32 @!p0 $0xFFFFF086;
	s6 =	sadd.s32 @!p0 s3, s7;
	s7 =	simm.s32 @!p0 $0x108  }
0x21: {  	s3 =	sadd.s32 s3, s9;
	s6 =	sadd.s32 @!p0 $0x88, s6;
	s7 =	simm.s32 @p2 $0x1082  }
0x22: {  	[simem:s7], [sflag:s8] =	dma.local @!p0 [hbm:s6], $0xF7A  }
0x23: {  	s9 =	sor.u32 $0xD0000000, s2;
	s6 =	simm.s32 $0x108;
	_ =	swait.ge @!p0 [sflag:s8], $0x0  }
0x24: {  	s3 =	sadd.s32 $0x88, s3;
	s6 =	simm.s32 @!p1 $0x1082;
	[sflag:s4] =	ssyncset.s32 $0xFFFFF086  }
0x25: {  	[simem:s6], [sflag:s4] =	dma.local [hbm:s3], $0xF7A  }
0x26: {  	[smem:$0x3F9F] =	sst s1;
	(tag) =	ssettag s2;
	_ =	strace s9  }
0x27: {  	s1 =	sld [smem:$0x3FAF]  }
0x28: {  	s2 =	sld [smem:$0x3FB0]  }
0x29: {  	s4 =	sld [smem:$0x3FB2]  }
0x2a: {  	p0 =	seq.s32 s5, $0x0;
	s5 =	sld [smem:$0x3FB3]  }
0x2b: {  	s6 =	sld [smem:$0x3FB4]  }
0x2c: {  	s7 =	sld [smem:$0x3FB5]  }
0x2d: {  	s3 =	simm.s32 $0x108;
	s8 =	sld [smem:$0x3FB6]  }
0x2e: {  	s3 =	simm.s32 @!p0 $0x1082;
	s9 =	sld [smem:$0x3FB7]  }
0x2f: {  	lr =	sadd.s32 s0, s3;
	s0 =	sld [smem:$0x3FAE]  }
0x30: {  	s3 =	sld [smem:$0x3FB1]  }
0x31: {  	[smem:$0x3FBA] =	sst s10  }
0x32: {  	s10 =	sld [smem:$0x3FB8];
	_ =	sdelay $0x3  }
0x33: {  	p0 =	seq.s32 s10, $0x1;
	s10 =	sld [smem:$0x3FBA];
	_ =	sdelay $0x3  }
0x34: {  	[smem:$0x3FBA] =	sst s10  }
0x35: {  	s10 =	sld [smem:$0x3FB9];
	_ =	sdelay $0x3  }
0x36: {  	p1 =	seq.s32 s10, $0x1;
	s10 =	sld [smem:$0x3FBA];
	_ =	sdelay $0x3  }
0x37: {  	[smem:$0x3FBA] =	sst s10  }
0x38: {  	s10 =	sld [smem:$0x3FBB]  }
0x39: {  	_ = 	snop;
	(pc) =	sbr.ind lr, $3  }
0x3a: {  	_ = 	snop  }
0x3b: {  	_ = 	snop  }
0x3c: {  	p2 =	seq.s32 s10, $0x1;
	s10 =	sld [smem:$0x3FBA]  }
0x3d: {  	_ =	shalt  }
0x3e: {  	_ =	shalt  }
0x3f: {  	_ =	shalt  }
0x40: {  	_ =	shalt  }
0x41: {  	_ =	shalt  }
0x42: {  	_ =	shalt  }
0x43: {  	_ =	shalt  }
0x44: {  	_ =	shalt  }
0x45: {  	_ =	shalt  }
0x46: {  	_ =	shalt  }
0x47: {  	_ =	shalt  }
0x48: {  	_ =	shalt  }
0x49: {  	_ =	shalt  }
0x4a: {  	_ =	shalt  }
0x4b: {  	_ =	shalt  }
0x4c: {  	_ =	shalt  }
0x4d: {  	_ =	shalt  }
0x4e: {  	_ =	shalt  }
0x4f: {  	_ =	shalt  }
0x50: {  	_ =	shalt  }
0x51: {  	_ =	shalt  }
0x52: {  	_ =	shalt  }
0x53: {  	_ =	shalt  }
0x54: {  	_ =	shalt  }
0x55: {  	_ =	shalt  }
0x56: {  	_ =	shalt  }
0x57: {  	_ =	shalt  }
0x58: {  	_ =	shalt  }
0x59: {  	_ =	shalt  }
0x5a: {  	_ =	shalt  }
0x5b: {  	_ =	shalt  }
0x5c: {  	_ =	shalt  }
0x5d: {  	_ =	shalt  }
0x5e: {  	_ =	shalt  }
0x5f: {  	_ =	shalt  }
0x60: {  	_ =	shalt  }
0x61: {  	_ =	shalt  }
0x62: {  	_ =	shalt  }
0x63: {  	_ =	shalt  }
0x64: {  	_ =	shalt  }
0x65: {  	_ =	shalt  }
0x66: {  	_ =	shalt  }
0x67: {  	_ =	shalt  }
0x68: {  	_ =	shalt  }
0x69: {  	_ =	shalt  }
0x6a: {  	_ =	shalt  }
0x6b: {  	_ =	shalt  }
0x6c: {  	_ =	shalt  }
0x6d: {  	_ =	shalt  }
0x6e: {  	_ =	shalt  }
0x6f: {  	_ =	shalt  }
0x70: {  	_ =	shalt  }
0x71: {  	_ =	shalt  }
0x72: {  	_ =	shalt  }
0x73: {  	_ =	shalt  }
0x74: {  	_ =	shalt  }
0x75: {  	_ =	shalt  }
0x76: {  	_ =	shalt  }
0x77: {  	_ =	shalt  }
0x78: {  	_ =	shalt  }
0x79: {  	_ =	shalt  }
0x7a: {  	_ =	shalt  }
0x7b: {  	_ =	shalt  }
0x7c: {  	_ =	shalt  }
0x7d: {  	_ =	shalt  }
0x7e: {  	_ =	shalt  }
0x7f: {  	_ =	shalt  }
0x80: {  	_ =	shalt  }
0x81: {  	_ =	shalt  }
0x82: {  	_ =	shalt  }
0x83: {  	_ =	shalt  }
0x84: {  	_ =	shalt  }
0x85: {  	_ =	shalt  }
0x86: {  	_ =	shalt  }
0x87: {  	_ =	shalt  }
.Lfunc_end0:
.L_simem_size_0:
called_computation_lowered:
.L_overlay_start_0:
0x88: {  	s2 =	sld [smem:$0x3FD9]  }
0x89: {  	s3 =	sld [smem:$0x3FFE];
	_ =	sdelay $0x1  }
0x8a: {  	s1 =	srdreg.scid  }
0x8b: {  	s0 =	sand.u32 $0x1, s1  }
0x8c: {  	s17 =	sshll.u32 s0, $0xA;
	s2 =	sadd.s32 s3, s2  }
0x8d: {  	s2 =	sadd.s32 s2, s17  }
0x8e: {  	[smem:$0x3FC6] =	sst s2  }
0x8f: {  	_ = 	snop  }
0x90: {  	s2 =	sld [smem:$0x3FD0];
	(tm) =	ssettm $0x1  }
0x91: {  	s18 =	sld [smem:$0x3FFB];
	_ =	sdelay $0x3  }
0x92: {  	_ =	strace s18  }
0x93: {  	s3 =	sld [smem:$0x3FFC];
	_ =	sdelay $0x3  }
0x94: {  	_ =	strace s3  }
0x95: {  	s3 =	sld [smem:$0x3FFD];
	_ =	sdelay $0x3  }
0x96: {  	_ =	strace s3  }
0x97: {  	_ =	strace $0x8FFFFFFF  }
0x98: {  	s19 =	sld [smem:$0x3FDB];
	_ =	sdelay $0x1  }
0x99: {  	s4 =	simm.s32 $_scs_section_size  }
0x9a: {  	s5 =	simm.s32 $_size__tile_overlayer_lowered;
	s6 =	simm.s32 $_tile_overlayer_lowered  }
0x9b: {  	s22 =	simm.s32 $0x1BFF;
	s21 =	sshll.u32 s6, $0x1;
	s3 =	sadd.s32 s4, s19  }
0x9c: {  	s7 =	simm.s32 $0x0;
	s20 =	sshll.u32 s5, $0x1;
	s5 =	sadd.s32 s21, s3  }
0x9d: {  	[timem:s7], [sflag:s22] =	dma.local [hbm:s5], s20  }
0x9e: {  	_ =	swait.ge [sflag:s22], s20  }
0x9f: {  	s4 =	ssub.s32 $0x0, s20;
	[sflag:s22] =	ssyncset.done $0x0  }
0xa0: {  	[sflag:s22] =	ssyncadd.s32 s4;
	_ =	sdelay $0x1  }
0xa1: {  	s23 =	simm.s32 $0x1B8B  }
0xa2: {  	_ =	swait.ge [sflag:s23], $0x1  }
0xa3: {  	[sflag:s23] =	ssyncset.done $0x0  }
0xa4: {  	s25 =	simm.s32 $0x1B8E;
	s24 =	sld [smem:$0x3FFE];
	[sflag:s23] =	ssyncadd.s32 $0xFFFFFFFF  }
0xa5: {  	s26 =	simm.s32 $execute0_lowered;
	[smem:$0x3FD2] =	sst s25  }
0xa6: {  	s5 =	sshll.u32 s26, $0x1;
	_ =	strace $0x80000046;
	[dreg:$0x1] =	wrdreg $0xFFFFFFFF  }
0xa7: {  	s28 =	simm.s32 $_size_execute0_lowered;
	s3 =	sadd.s32 s3, s5;
	[dreg:$0x0] =	wrdreg $0x0  }
0xa8: {  	s5 =	sshll.u32 s28, $0x1;
	[dreg:$0x2] =	wrdreg s3  }
0xa9: {  	[dreg:$0x3] =	wrdreg s5  }
0xaa: {  	[dreg:$0x4] =	wrdreg $0xC0  }
0xab: {  	_ =	task [dreg:s7], $0x5FFFF  }
0xac: {  	[dreg:$0x1] =	wrdreg $0xFFFFFFFF  }
0xad: {  	[dreg:$0x0] =	wrdreg $0x60  }
0xae: {  	[dreg:$0x2] =	wrdreg s24  }
0xaf: {  	[dreg:$0x3] =	wrdreg s2  }
0xb0: {  	[dreg:$0x4] =	wrdreg $0x9  }
0xb1: {  	_ =	task.clear_ibuf [dreg:s7], $0x5FFFF;
	_ =	strace $0x90000046  }
0xb2: {  	s29 =	simm.s32 $0x9;
	_ =	strace $0x80000048  }
0xb3: {  	_ =	swait.ge [sflag:s29], $0x1  }
0xb4: {  	[sflag:s29] =	ssyncadd.s32 $0xFFFFFFFF  }
0xb5: {  	_ =	strace $0x90000048  }
0xb6: {  	_ =	sfence  }
0xb7: {  	s30 =	sld [smem:$0x0];
	_ =	sdelay $0x2  }
0xb8: {  	s31 =	sshll.u32 s1, $0xD;
	s1 =	sshrl.u32 s1, $0x2  }
0xb9: {  	s3 =	sand.u32 $0x4000, s31;
	s1 =	sadd.s32 s1, s30  }
0xba: {  	s0 =	sor.u32 s3, s0;
	s1 =	sshll.u32 s1, $0x11  }
0xbb: {  	s0 =	sor.u32 s1, s0  }
0xbc: {  	s0 =	sadd.s32 $0x8F2B, s0  }
0xbd: {  	[sflag:s0] =	ssyncadd.remote.s32 $0x1  }
0xbe: {  	_ =	sfence.sel $0xFFFF  }
0xbf: {  	[dreg:$0x0] =	wrdreg $0xFFFFFFFF;
	(pc) =	sbr.abs _section_cstart, $3  }
0xc0: {  	[dreg:$0x1] =	wrdreg $0xFFFFFFFF  }
0xc1: {  	_ =	task.clear_ibuf [dreg:s7], $0x2FFFF;
	_ =	strace $0x9FFFFFFF  }
0xc2: {  	(tm) =	ssettm $0x7FFFFFFF  }
0xc3: {  	_ =	shalt  }
tec
execute0_lowered:
.L_overlay_start_1:
0x0: {  	(tag) =	ssettag $0x1  }
0x1: {  	s0 =	rddreg [dreg:$0x0]  }
0x2: {  	s1 =	rddreg [dreg:$0x1];
	s3 =	srdreg.scid;
	s2 =	simm.s32 $0x0  }
0x3: {  	s5 =	stileid.u32;
	s11 =	simm.s32 $0xC00;
	[smem:$0x7FF] =	sst s2  }
0x4: {  	s12 =	simm.s32 $0x1400;
	_ =	strace $0x80000047;
	[dreg:$0x4] =	wrdreg s11  }
0x5: {  	s13 =	simm.s32 $0x1C00;
	s14 =	simm.s32 $0x2400;
	[dreg:$0x5] =	wrdreg s12  }
0x6: {  	s15 =	simm.s32 $0x2C00;
	s16 =	simm.s32 $0x3400;
	[dreg:$0x6] =	wrdreg s13  }
0x7: {  	s17 =	simm.s32 $0x3C00;
	s18 =	simm.s32 $0x4400;
	[dreg:$0x7] =	wrdreg s14  }
0x8: {  	s19 =	simm.s32 $0x4C00;
	s20 =	simm.s32 $0x5400;
	[dreg:$0x8] =	wrdreg s15  }
0x9: {  	s21 =	simm.s32 $0x5C00;
	s22 =	simm.s32 $0x6400;
	[dreg:$0x9] =	wrdreg s16  }
0xa: {  	s23 =	simm.s32 $0x6C00;
	s25 =	simm.s32 $0x7400;
	[dreg:$0xa] =	wrdreg s17  }
0xb: {  	s28 =	simm.s32 $0xF400;
	s29 =	simm.s32 $0xFC00;
	[dreg:$0xb] =	wrdreg s18  }
0xc: {  	s30 =	simm.s32 $0x2;
	s31 =	simm.s32 $0x3;
	[dreg:$0xc] =	wrdreg s19  }
0xd: {  	s4 =	sand.u32 $0x1, s3;
	s9 =	sshll.u32 s5, $0x12;
	[dreg:$0xd] =	wrdreg s20  }
0xe: {  	s3 =	sadd.s32 $0x1400, s0;
	s5 =	sshll.u32 s5, $0x1;
	[dreg:$0xe] =	wrdreg s21  }
0xf: {  	s1 =	sadd.s32 s9, s1;
	s10 =	sshll.u32 s4, $0x11;
	[dreg:$0xf] =	wrdreg s22  }
0x10: {  	s5 =	sor.u32 s4, s5;
	s4 =	ssub.s32 $0x2, s4;
	[dreg:$0x10] =	wrdreg s23  }
0x11: {  	[dreg:$0x11] =	wrdreg s25;
	s11 =	simm.s32 $0x7C00;
	s12 =	simm.s32 $0x1  }
0x12: {  	s13 =	simm.s32 $0x8400;
	s14 =	simm.s32 $0x8C00;
	s15 =	simm.s32 $0x9400  }
0x13: {  	s16 =	simm.s32 $0x9C00;
	s17 =	simm.s32 $0xA400;
	s18 =	simm.s32 $0xAC00  }
0x14: {  	s19 =	simm.s32 $0xB400;
	s20 =	simm.s32 $0xBC00;
	s21 =	simm.s32 $0xC400  }
0x15: {  	s22 =	simm.s32 $0xCC00;
	s23 =	simm.s32 $0xD400;
	s25 =	simm.s32 $0xE400  }
0x16: {  	s1 =	sadd.s32 s10, s1;
	s6 =	sshll.u32 s5, $0x7;
	s7 =	sshrl.u32 s4, $0x1  }
0x17: {  	s26 =	sshll.u32 s5, $0x1;
	s5 =	sadd.s32 $0x1500, s0;
	s10 =	simm.s32 $0x400  }
0x18: {  	[dreg:$0x3] =	wrdreg s1;
	s6 =	sadd.s32 s6, s0;
	s4 =	ssub.s32 s4, s7  }
0x19: {  	v3 =	vlaneseq.u32;
	s7 =	sadd.s32 $0x1700, s0;
	v0 =	vmov s26;
	s26 =	simm.s32 $0xEC00;
	s6 =	sadd.s32 $0x400, s6  }
0x1a: {  	vm0 =	vmmov $0xffff;
	v2 =	vshrl.u32 v3, $0x3;
	s24 =	smax.u32 s4, $0x1;
	[dreg:$0x12] =	wrdreg s6;
	s6 =	sadd.s32 $0x1600, s0  }
0x1b: {  	v1 =	vand.u32 $0x7, v3;
	v3 =	vor.u32 $0x8, v3;
	v2 =	vmul.u32 $0x8, v2;
	[dreg:$0x13] =	wrdreg s24;
	s24 =	simm.s32 $0xDC00;
	s0 =	simm.s32 $0x0  }
.LBB2_1:
0x1c: {  	s1 =	rddreg [dreg:$0x12];
	s9 =	simm.s32 $0x4  }
0x1d: {  	[tilespmem:s2], [sflag:$0x4] =	stream.linear.gather [hbm4b:s1+s2], $0x400, $0x38;
	[tilespmem:$0x10400] =	vst v63  }
0x1e: {  	_ =	swait.ge [sflag:s9], $0x400  }
0x1f: {  	[sflag:s9] =	ssyncset.done $0x0  }
0x20: {  	[sflag:s9] =	ssyncadd.s32 $0xFFFFFC00  }
0x21: {  	v4 =	vld [tilespmem:$0x0]  }
0x22: {  	v5 =	vld [tilespmem:$0x10]  }
0x23: {  	v6 =	vld [tilespmem:$0x20]  }
0x24: {  	v7 =	vld [tilespmem:$0x30]  }
0x25: {  	v8 =	vld [tilespmem:$0x40]  }
0x26: {  	v9 =	vld [tilespmem:$0x50];
	v4 =	vadd.s32 v0, v4  }
0x27: {  	[tilespmem:$0x0] =	vst v4;
	v4 =	vadd.s32 v0, v5;
	v5 =	vld [tilespmem:$0x60]  }
0x28: {  	v18 =	vld [tilespmem:$0x70];
	[tilespmem:$0x10] =	vst v4;
	v4 =	vadd.s32 v0, v6  }
0x29: {  	v19 =	vld [tilespmem:$0x80];
	[tilespmem:$0x20] =	vst v4;
	v4 =	vadd.s32 v0, v7  }
0x2a: {  	v20 =	vld [tilespmem:$0x90];
	[tilespmem:$0x30] =	vst v4;
	v4 =	vadd.s32 v0, v8  }
0x2b: {  	v21 =	vld [tilespmem:$0xA0];
	[tilespmem:$0x40] =	vst v4;
	v4 =	vadd.s32 v0, v9  }
0x2c: {  	[tilespmem:$0x50] =	vst v4;
	v4 =	vadd.s32 v0, v5;
	v5 =	vld [tilespmem:$0xB0]  }
0x2d: {  	v22 =	vld [tilespmem:$0xC0];
	[tilespmem:$0x60] =	vst v4;
	v4 =	vadd.s32 v0, v18  }
0x2e: {  	v23 =	vld [tilespmem:$0xD0];
	[tilespmem:$0x70] =	vst v4;
	v4 =	vadd.s32 v0, v19  }
0x2f: {  	v24 =	vld [tilespmem:$0xE0];
	[tilespmem:$0x80] =	vst v4;
	v4 =	vadd.s32 v0, v20  }
0x30: {  	v25 =	vld [tilespmem:$0xF0];
	[tilespmem:$0x90] =	vst v4;
	v4 =	vadd.s32 v0, v21  }
0x31: {  	[tilespmem:$0xA0] =	vst v4;
	v4 =	vadd.s32 v0, v5;
	v5 =	vld [tilespmem:$0x100]  }
0x32: {  	v26 =	vld [tilespmem:$0x110];
	[tilespmem:$0xB0] =	vst v4;
	v4 =	vadd.s32 v0, v22  }
0x33: {  	v27 =	vld [tilespmem:$0x120];
	[tilespmem:$0xC0] =	vst v4;
	v4 =	vadd.s32 v0, v23  }
0x34: {  	v28 =	vld [tilespmem:$0x130];
	[tilespmem:$0xD0] =	vst v4;
	v4 =	vadd.s32 v0, v24  }
0x35: {  	v29 =	vld [tilespmem:$0x140];
	[tilespmem:$0xE0] =	vst v4;
	v4 =	vadd.s32 v0, v25  }
0x36: {  	[tilespmem:$0xF0] =	vst v4;
	v4 =	vadd.s32 v0, v5;
	v5 =	vld [tilespmem:$0x150]  }
0x37: {  	v30 =	vld [tilespmem:$0x160];
	[tilespmem:$0x100] =	vst v4;
	v4 =	vadd.s32 v0, v26  }
0x38: {  	v31 =	vld [tilespmem:$0x170];
	[tilespmem:$0x110] =	vst v4;
	v4 =	vadd.s32 v0, v27  }
0x39: {  	v32 =	vld [tilespmem:$0x180];
	[tilespmem:$0x120] =	vst v4;
	v4 =	vadd.s32 v0, v28  }
0x3a: {  	v33 =	vld [tilespmem:$0x190];
	[tilespmem:$0x130] =	vst v4;
	v4 =	vadd.s32 v0, v29  }
0x3b: {  	[tilespmem:$0x140] =	vst v4;
	v4 =	vadd.s32 v0, v5;
	v5 =	vld [tilespmem:$0x1A0]  }
0x3c: {  	v34 =	vld [tilespmem:$0x1B0];
	[tilespmem:$0x150] =	vst v4;
	v4 =	vadd.s32 v0, v30  }
0x3d: {  	v35 =	vld [tilespmem:$0x1C0];
	[tilespmem:$0x160] =	vst v4;
	v4 =	vadd.s32 v0, v31  }
0x3e: {  	v36 =	vld [tilespmem:$0x1D0];
	[tilespmem:$0x170] =	vst v4;
	v4 =	vadd.s32 v0, v32  }
0x3f: {  	v37 =	vld [tilespmem:$0x1E0];
	[tilespmem:$0x180] =	vst v4;
	v4 =	vadd.s32 v0, v33  }
0x40: {  	[tilespmem:$0x190] =	vst v4;
	v4 =	vadd.s32 v0, v5;
	v5 =	vld [tilespmem:$0x1F0]  }
0x41: {  	v38 =	vld [tilespmem:$0x200];
	[tilespmem:$0x1A0] =	vst v4;
	v4 =	vadd.s32 v0, v34  }
0x42: {  	v39 =	vld [tilespmem:$0x210];
	[tilespmem:$0x1B0] =	vst v4;
	v4 =	vadd.s32 v0, v35  }
0x43: {  	v40 =	vld [tilespmem:$0x220];
	[tilespmem:$0x1C0] =	vst v4;
	v4 =	vadd.s32 v0, v36  }
0x44: {  	v41 =	vld [tilespmem:$0x230];
	[tilespmem:$0x1D0] =	vst v4;
	v4 =	vadd.s32 v0, v37  }
0x45: {  	[tilespmem:$0x1E0] =	vst v4;
	v4 =	vadd.s32 v0, v5;
	v5 =	vld [tilespmem:$0x240]  }
0x46: {  	v42 =	vld [tilespmem:$0x250];
	[tilespmem:$0x1F0] =	vst v4;
	v4 =	vadd.s32 v0, v38  }
0x47: {  	v43 =	vld [tilespmem:$0x260];
	[tilespmem:$0x200] =	vst v4;
	v4 =	vadd.s32 v0, v39  }
0x48: {  	v44 =	vld [tilespmem:$0x270];
	[tilespmem:$0x210] =	vst v4;
	v4 =	vadd.s32 v0, v40  }
0x49: {  	v45 =	vld [tilespmem:$0x280];
	[tilespmem:$0x220] =	vst v4;
	v4 =	vadd.s32 v0, v41  }
0x4a: {  	[tilespmem:$0x230] =	vst v4;
	v4 =	vadd.s32 v0, v5;
	v5 =	vld [tilespmem:$0x290]  }
0x4b: {  	v46 =	vld [tilespmem:$0x2A0];
	[tilespmem:$0x240] =	vst v4;
	v4 =	vadd.s32 v0, v42  }
0x4c: {  	v47 =	vld [tilespmem:$0x2B0];
	[tilespmem:$0x250] =	vst v4;
	v4 =	vadd.s32 v0, v43  }
0x4d: {  	v48 =	vld [tilespmem:$0x2C0];
	[tilespmem:$0x260] =	vst v4;
	v4 =	vadd.s32 v0, v44  }
0x4e: {  	v49 =	vld [tilespmem:$0x2D0];
	[tilespmem:$0x270] =	vst v4;
	v4 =	vadd.s32 v0, v45  }
0x4f: {  	[tilespmem:$0x280] =	vst v4;
	v4 =	vadd.s32 v0, v5;
	v5 =	vld [tilespmem:$0x2E0]  }
0x50: {  	v50 =	vld [tilespmem:$0x2F0];
	[tilespmem:$0x290] =	vst v4;
	v4 =	vadd.s32 v0, v46  }
0x51: {  	v51 =	vld [tilespmem:$0x300];
	[tilespmem:$0x2A0] =	vst v4;
	v4 =	vadd.s32 v0, v47  }
0x52: {  	v52 =	vld [tilespmem:$0x310];
	[tilespmem:$0x2B0] =	vst v4;
	v4 =	vadd.s32 v0, v48  }
0x53: {  	v53 =	vld [tilespmem:$0x320];
	[tilespmem:$0x2C0] =	vst v4;
	v4 =	vadd.s32 v0, v49  }
0x54: {  	[tilespmem:$0x2D0] =	vst v4;
	v4 =	vadd.s32 v0, v5;
	v5 =	vld [tilespmem:$0x330]  }
0x55: {  	v54 =	vld [tilespmem:$0x340];
	[tilespmem:$0x2E0] =	vst v4;
	v4 =	vadd.s32 v0, v50  }
0x56: {  	v55 =	vld [tilespmem:$0x350];
	[tilespmem:$0x2F0] =	vst v4;
	v4 =	vadd.s32 v0, v51  }
0x57: {  	v56 =	vld [tilespmem:$0x360];
	[tilespmem:$0x300] =	vst v4;
	v4 =	vadd.s32 v0, v52  }
0x58: {  	v57 =	vld [tilespmem:$0x370];
	[tilespmem:$0x310] =	vst v4;
	v4 =	vadd.s32 v0, v53  }
0x59: {  	[tilespmem:$0x320] =	vst v4;
	v4 =	vadd.s32 v0, v5;
	v5 =	vld [tilespmem:$0x380]  }
0x5a: {  	v58 =	vld [tilespmem:$0x390];
	[tilespmem:$0x330] =	vst v4;
	v4 =	vadd.s32 v0, v54  }
0x5b: {  	v59 =	vld [tilespmem:$0x3A0];
	[tilespmem:$0x340] =	vst v4;
	v4 =	vadd.s32 v0, v55  }
0x5c: {  	v60 =	vld [tilespmem:$0x3B0];
	[tilespmem:$0x350] =	vst v4;
	v4 =	vadd.s32 v0, v56  }
0x5d: {  	v61 =	vld [tilespmem:$0x3C0];
	[tilespmem:$0x360] =	vst v4;
	v4 =	vadd.s32 v0, v57  }
0x5e: {  	[tilespmem:$0x370] =	vst v4;
	v4 =	vadd.s32 v0, v5;
	v5 =	vld [tilespmem:$0x3D0]  }
0x5f: {  	v62 =	vld [tilespmem:$0x3E0];
	[tilespmem:$0x380] =	vst v4;
	v4 =	vadd.s32 v0, v58  }
0x60: {  	v63 =	vld [tilespmem:$0x3F0];
	[tilespmem:$0x390] =	vst v4;
	v4 =	vadd.s32 v0, v59  }
0x61: {  	[tilespmem:$0x3A0] =	vst v4;
	v4 =	vadd.s32 v0, v60  }
0x62: {  	[tilespmem:$0x3B0] =	vst v4;
	v4 =	vadd.s32 v0, v61  }
0x63: {  	[tilespmem:$0x3C0] =	vst v4;
	v4 =	vadd.s32 v0, v5  }
0x64: {  	[tilespmem:$0x3D0] =	vst v4;
	v4 =	vadd.s32 v0, v62  }
0x65: {  	[tilespmem:$0x3E0] =	vst v4;
	v4 =	vadd.s32 v0, v63  }
0x66: {  	s4 =	simm.s32 $0x0;
	s1 =	simm.s32 $0x20;
	[tilespmem:$0x3F0] =	vst v4  }
.LBB2_2:
0x67: {  	p0 =	seq.s32 s4, $0x0  }
0x68: {  	s8 =	simm.s32 @!p0 $0x2  }
0x69: {  	_ =	swait.ge @!p0 [sflag:s8], $0x8000  }
0x6a: {  	[sflag:s8] =	ssyncset.done @!p0 $0x0  }
0x6b: {  	[sflag:s8] =	ssyncadd.s32 @!p0 $0xFFFF8000  }
0x6c: {  	v4 =	vld [tilespmem:s1+$0xFFFFFFE0];
	_ =	sdelay $0x4  }
0x6d: {  	v5 =	vshll.u32 v4, $0x3  }
0x6e: {  	v4 =	vand.u32 $0x7, v4;
	v5 =	vand.u32 $0xFFFFFFC0, v5  }
0x6f: {  	v4 =	vor.u32 v4, v5  }
0x70: {  	v5 =	vperm.xlane v4, v1;
	_ =	sdelay $0x1  }
0x71: {  	v5 =	vadd.s32 v2, v5;
	_ =	sdelay $0x4  }
0x72: {  	[tilespmem:s10], [sflag:$0x1] =	stream.indirect_vreg.gather [hbm4b:s3+s2], $0x80, v5, vm0, $0xb8;
	[tilespmem:$0x10400] =	vst v63  }
0x73: {  	s8 =	rddreg [dreg:$0x4];
	v4 =	vperm.xlane v4, v3  }
0x74: {  	[tilespmem:s8], [sflag:$0x1] =	stream.indirect_vreg.gather [hbm4b:s5+s2], $0x80, v5, vm0, $0xb8;
	[tilespmem:$0x10400] =	vst v63  }
0x75: {  	s9 =	rddreg [dreg:$0x5];
	v4 =	vadd.s32 v2, v4  }
0x76: {  	[tilespmem:s9], [sflag:$0x1] =	stream.indirect_vreg.gather [hbm4b:s6+s2], $0x80, v5, vm0, $0xb8;
	[tilespmem:$0x10400] =	vst v63  }
0x77: {  	s8 =	rddreg [dreg:$0x6]  }
0x78: {  	[tilespmem:s8], [sflag:$0x1] =	stream.indirect_vreg.gather [hbm4b:s7+s2], $0x80, v5, vm0, $0xb8;
	[tilespmem:$0x10400] =	vst v63  }
0x79: {  	s9 =	rddreg [dreg:$0x7]  }
0x7a: {  	[tilespmem:s9], [sflag:$0x1] =	stream.indirect_vreg.gather [hbm4b:s3+s2], $0x80, v4, vm0, $0xb8;
	[tilespmem:$0x10400] =	vst v63  }
0x7b: {  	s8 =	rddreg [dreg:$0x8]  }
0x7c: {  	[tilespmem:s8], [sflag:$0x1] =	stream.indirect_vreg.gather [hbm4b:s5+s2], $0x80, v4, vm0, $0xb8;
	[tilespmem:$0x10400] =	vst v63  }
0x7d: {  	s9 =	rddreg [dreg:$0x9]  }
0x7e: {  	[tilespmem:s9], [sflag:$0x1] =	stream.indirect_vreg.gather [hbm4b:s6+s2], $0x80, v4, vm0, $0xb8;
	[tilespmem:$0x10400] =	vst v63  }
0x7f: {  	s8 =	rddreg [dreg:$0xa]  }
0x80: {  	[tilespmem:s8], [sflag:$0x1] =	stream.indirect_vreg.gather [hbm4b:s7+s2], $0x80, v4, vm0, $0xb8;
	[tilespmem:$0x10400] =	vst v63  }
0x81: {  	v4 =	vld [tilespmem:s1+$0xFFFFFFF0];
	_ =	sdelay $0x4  }
0x82: {  	v5 =	vshll.u32 v4, $0x3  }
0x83: {  	v4 =	vand.u32 $0x7, v4;
	v5 =	vand.u32 $0xFFFFFFC0, v5  }
0x84: {  	v4 =	vor.u32 v4, v5  }
0x85: {  	v5 =	vperm.xlane v4, v1;
	_ =	sdelay $0x1  }
0x86: {  	v5 =	vadd.s32 v2, v5;
	_ =	sdelay $0x3  }
0x87: {  	s8 =	rddreg [dreg:$0xb]  }
0x88: {  	[tilespmem:s8], [sflag:$0x1] =	stream.indirect_vreg.gather [hbm4b:s3+s2], $0x80, v5, vm0, $0xb8;
	[tilespmem:$0x10400] =	vst v63  }
0x89: {  	s9 =	rddreg [dreg:$0xc];
	v4 =	vperm.xlane v4, v3  }
0x8a: {  	[tilespmem:s9], [sflag:$0x1] =	stream.indirect_vreg.gather [hbm4b:s5+s2], $0x80, v5, vm0, $0xb8;
	[tilespmem:$0x10400] =	vst v63  }
0x8b: {  	v4 =	vadd.s32 v2, v4;
	s8 =	rddreg [dreg:$0xd]  }
0x8c: {  	[tilespmem:s8], [sflag:$0x1] =	stream.indirect_vreg.gather [hbm4b:s6+s2], $0x80, v5, vm0, $0xb8;
	[tilespmem:$0x10400] =	vst v63  }
0x8d: {  	s9 =	rddreg [dreg:$0xe]  }
0x8e: {  	[tilespmem:s9], [sflag:$0x1] =	stream.indirect_vreg.gather [hbm4b:s7+s2], $0x80, v5, vm0, $0xb8;
	[tilespmem:$0x10400] =	vst v63  }
0x8f: {  	s8 =	rddreg [dreg:$0xf]  }
0x90: {  	[tilespmem:s8], [sflag:$0x1] =	stream.indirect_vreg.gather [hbm4b:s3+s2], $0x80, v4, vm0, $0xb8;
	[tilespmem:$0x10400] =	vst v63  }
0x91: {  	s9 =	rddreg [dreg:$0x10]  }
0x92: {  	[tilespmem:s9], [sflag:$0x1] =	stream.indirect_vreg.gather [hbm4b:s5+s2], $0x80, v4, vm0, $0xb8;
	[tilespmem:$0x10400] =	vst v63  }
0x93: {  	s8 =	rddreg [dreg:$0x11]  }
0x94: {  	[tilespmem:s8], [sflag:$0x1] =	stream.indirect_vreg.gather [hbm4b:s6+s2], $0x80, v4, vm0, $0xb8;
	[tilespmem:$0x10400] =	vst v63  }
0x95: {  	_ = 	snop  }
0x96: {  	[tilespmem:s11], [sflag:$0x1] =	stream.indirect_vreg.gather [hbm4b:s7+s2], $0x80, v4, vm0, $0xb8;
	[tilespmem:$0x10400] =	vst v63  }
0x97: {  	_ =	swait.ge [sflag:s12], $0x8000  }
0x98: {  	s9 =	rddreg [dreg:$0x3];
	[sflag:s12] =	ssyncset.done $0x0  }
0x99: {  	[sflag:s12] =	ssyncadd.s32 $0xFFFF8000;
	s8 =	sadd.s32 s4, s9;
	s9 =	simm.s32 @!p0 $0x3  }
0x9a: {  	[hbm4b:s8+s2] =	stream.linear.scatter [tilespmem:s10], [sflag:$0x2], $0x8000, $0x38;
	[tilespmem:$0x10400] =	vst v63  }
0x9b: {  	_ =	swait.ge @!p0 [sflag:s9], $0x8000  }
0x9c: {  	[sflag:s9] =	ssyncset.done @!p0 $0x0  }
0x9d: {  	[sflag:s9] =	ssyncadd.s32 @!p0 $0xFFFF8000  }
0x9e: {  	v4 =	vld [tilespmem:s1+$0x0];
	_ =	sdelay $0x4  }
0x9f: {  	v5 =	vshll.u32 v4, $0x3  }
0xa0: {  	v4 =	vand.u32 $0x7, v4;
	v5 =	vand.u32 $0xFFFFFFC0, v5  }
0xa1: {  	v4 =	vor.u32 v4, v5  }
0xa2: {  	v5 =	vperm.xlane v4, v1;
	_ =	sdelay $0x1  }
0xa3: {  	v5 =	vadd.s32 v2, v5;
	_ =	sdelay $0x4  }
0xa4: {  	[tilespmem:s13], [sflag:$0x1] =	stream.indirect_vreg.gather [hbm4b:s3+s2], $0x80, v5, vm0, $0xb8;
	[tilespmem:$0x10400] =	vst v63  }
0xa5: {  	v4 =	vperm.xlane v4, v3  }
0xa6: {  	[tilespmem:s14], [sflag:$0x1] =	stream.indirect_vreg.gather [hbm4b:s5+s2], $0x80, v5, vm0, $0xb8;
	[tilespmem:$0x10400] =	vst v63  }
0xa7: {  	v4 =	vadd.s32 v2, v4  }
0xa8: {  	[tilespmem:s15], [sflag:$0x1] =	stream.indirect_vreg.gather [hbm4b:s6+s2], $0x80, v5, vm0, $0xb8;
	[tilespmem:$0x10400] =	vst v63  }
0xa9: {  	_ = 	snop  }
0xaa: {  	[tilespmem:s16], [sflag:$0x1] =	stream.indirect_vreg.gather [hbm4b:s7+s2], $0x80, v5, vm0, $0xb8;
	[tilespmem:$0x10400] =	vst v63  }
0xab: {  	_ = 	snop  }
0xac: {  	[tilespmem:s17], [sflag:$0x1] =	stream.indirect_vreg.gather [hbm4b:s3+s2], $0x80, v4, vm0, $0xb8;
	[tilespmem:$0x10400] =	vst v63  }
0xad: {  	_ = 	snop  }
0xae: {  	[tilespmem:s18], [sflag:$0x1] =	stream.indirect_vreg.gather [hbm4b:s5+s2], $0x80, v4, vm0, $0xb8;
	[tilespmem:$0x10400] =	vst v63  }
0xaf: {  	_ = 	snop  }
0xb0: {  	[tilespmem:s19], [sflag:$0x1] =	stream.indirect_vreg.gather [hbm4b:s6+s2], $0x80, v4, vm0, $0xb8;
	[tilespmem:$0x10400] =	vst v63  }
0xb1: {  	_ = 	snop  }
0xb2: {  	[tilespmem:s20], [sflag:$0x1] =	stream.indirect_vreg.gather [hbm4b:s7+s2], $0x80, v4, vm0, $0xb8;
	[tilespmem:$0x10400] =	vst v63  }
0xb3: {  	v4 =	vld [tilespmem:s1+$0x10];
	_ =	sdelay $0x4  }
0xb4: {  	v5 =	vshll.u32 v4, $0x3  }
0xb5: {  	v4 =	vand.u32 $0x7, v4;
	v5 =	vand.u32 $0xFFFFFFC0, v5  }
0xb6: {  	v4 =	vor.u32 v4, v5  }
0xb7: {  	v5 =	vperm.xlane v4, v1;
	_ =	sdelay $0x1  }
0xb8: {  	v5 =	vadd.s32 v2, v5;
	_ =	sdelay $0x4  }
0xb9: {  	[tilespmem:s21], [sflag:$0x1] =	stream.indirect_vreg.gather [hbm4b:s3+s2], $0x80, v5, vm0, $0xb8;
	[tilespmem:$0x10400] =	vst v63  }
0xba: {  	v4 =	vperm.xlane v4, v3  }
0xbb: {  	[tilespmem:s22], [sflag:$0x1] =	stream.indirect_vreg.gather [hbm4b:s5+s2], $0x80, v5, vm0, $0xb8;
	[tilespmem:$0x10400] =	vst v63  }
0xbc: {  	v4 =	vadd.s32 v2, v4  }
0xbd: {  	[tilespmem:s23], [sflag:$0x1] =	stream.indirect_vreg.gather [hbm4b:s6+s2], $0x80, v5, vm0, $0xb8;
	[tilespmem:$0x10400] =	vst v63  }
0xbe: {  	_ = 	snop  }
0xbf: {  	[tilespmem:s24], [sflag:$0x1] =	stream.indirect_vreg.gather [hbm4b:s7+s2], $0x80, v5, vm0, $0xb8;
	[tilespmem:$0x10400] =	vst v63  }
0xc0: {  	_ = 	snop  }
0xc1: {  	[tilespmem:s25], [sflag:$0x1] =	stream.indirect_vreg.gather [hbm4b:s3+s2], $0x80, v4, vm0, $0xb8;
	[tilespmem:$0x10400] =	vst v63  }
0xc2: {  	_ = 	snop  }
0xc3: {  	[tilespmem:s26], [sflag:$0x1] =	stream.indirect_vreg.gather [hbm4b:s5+s2], $0x80, v4, vm0, $0xb8;
	[tilespmem:$0x10400] =	vst v63  }
0xc4: {  	s4 =	sadd.s32 $0x2000, s4  }
0xc5: {  	[tilespmem:s28], [sflag:$0x1] =	stream.indirect_vreg.gather [hbm4b:s6+s2], $0x80, v4, vm0, $0xb8;
	[tilespmem:$0x10400] =	vst v63  }
0xc6: {  	p0 =	sne.s32 s4, $0x20000  }
0xc7: {  	[tilespmem:s29], [sflag:$0x1] =	stream.indirect_vreg.gather [hbm4b:s7+s2], $0x80, v4, vm0, $0xb8;
	[tilespmem:$0x10400] =	vst v63  }
.Ltmp0:
0xc8: {  	_ = 	snop;
	(pc) =	sbr.rel @p0 .LBB2_2-.Ltmp0, $4  }
0xc9: {  	_ =	swait.ge [sflag:s12], $0x8000  }
0xca: {  	[sflag:s12] =	ssyncset.done $0x0  }
0xcb: {  	s8 =	sadd.s32 $0x1000, s8;
	s1 =	sadd.s32 $0x40, s1;
	[sflag:s12] =	ssyncadd.s32 $0xFFFF8000  }
0xcc: {  	[hbm4b:s8+s2] =	stream.linear.scatter [tilespmem:s13], [sflag:$0x3], $0x8000, $0x38;
	[tilespmem:$0x10400] =	vst v63  }
0xcd: {  	_ =	swait.ge [sflag:s30], $0x8000  }
0xce: {  	[sflag:s30] =	ssyncset.done $0x0  }
0xcf: {  	[sflag:s30] =	ssyncadd.s32 $0xFFFF8000  }
0xd0: {  	_ =	swait.ge [sflag:s31], $0x8000  }
0xd1: {  	s0 =	sadd.s32 $0x1, s0;
	s1 =	rddreg [dreg:$0x13]  }
0xd2: {  	p0 =	sne.s32 s0, s1  }
.Ltmp1:
0xd3: {  	_ = 	snop;
	(pc) =	sbr.rel @p0 .LBB2_1-.Ltmp1, $3  }
0xd4: {  	_ =	sdelay $0x1  }
0xd5: {  	[sflag:s31] =	ssyncset.done $0x0  }
0xd6: {  	[sflag:s31] =	ssyncadd.s32 $0xFFFF8000  }
0xd7: {  	_ =	sfence.sel $0x180000  }
0xd8: {  	[bflag:$0x0] =	sbarrier.arrive $0xFFFF  }
0xd9: {  	_ =	strace $0x90000047  }
0xda: {  	s0 =	stileid.u32;
	[bflag:$0x2] =	sbarrier.arrive $0xFFFF  }
0xdb: {  	p0 =	sne.s32 s0, $0x0;
	s0 =	rddreg [dreg:$0x2]  }
0xdc: {  	s0 =	sadd.s32 @!p0 $0x100000, s0  }
0xdd: {  	[sflag:s0] =	ssyncadd.tile.s32 @!p0 $0x1;
	_ =	shalt  }
.Lfunc_end2:
_tile_overlayer_lowered:
.L_overlay_start_2:
0xde: {  	(tag) =	ssettag $0x2  }
0xdf: {  	s0 =	rddreg [dreg:$0x0];
	s2 =	stileid.u32  }
0xe0: {  	s1 =	rddreg [dreg:$0x1];
	p0 =	sne.s32 s2, $0x0  }
0xe1: {  	s3 =	rddreg [dreg:$0x2];
	[bflag:$0x3] =	sbarrier.arrive $0xFFFF;
	s2 =	simm.s32 @!p0 $0x1C04  }
0xe2: {  	[timem:s3], [sflag:s2] =	dma.local @!p0 [hbm:s0], s1  }
0xe3: {  	s0 =	simm.s32 @!p0 $0x4  }
0xe4: {  	_ =	swait.ge @!p0 [sflag:s0], s1  }
0xe5: {  	s1 =	ssub.s32 @!p0 $0x0, s1;
	[sflag:s0] =	ssyncset.done @!p0 $0x0  }
0xe6: {  	[sflag:s0] =	ssyncadd.s32 @!p0 s1  }
0xe7: {  	[bflag:$0x3] =	sbarrier.arrive $0xFFFF  }
0xe8: {  	_ =	shalt  }

</sc_bundles>
